<compile_context>
chip_gen: v7x
topology: tpu7x:2x2x1
jax: 0.10.2.dev20260603
libtpu: 0.0.44.dev20260713+nightly
codegen_flags: <defaults>
</compile_context>

<pallas_src>
import functools

import jax
import jax.numpy as jnp
from jax import lax
from jax.experimental import pallas as pl
from jax.experimental.pallas import tpu as pltpu
from jax.experimental.pallas import tpu_sc as plsc

HIDDEN = 768
EPS = 1e-5
PAD_IDX = 0

_NUM_CORES = 2
_NUM_SUBCORES = 16

_CHUNK = 16
_NBUF = 8

_LN_ROWS = 2048


def _sc_gather(table, ids):
    n = ids.shape[0]
    n_tiles = _NUM_CORES * _NUM_SUBCORES
    rows_per_tile = n // n_tiles
    n_chunks = rows_per_tile // _CHUNK
    mesh = plsc.VectorSubcoreMesh(core_axis_name="core", subcore_axis_name="subcore")

    @functools.partial(
        pl.kernel,
        out_type=jax.ShapeDtypeStruct((n, HIDDEN), jnp.float32),
        mesh=mesh,
        scratch_types=(
            [pltpu.VMEM((rows_per_tile,), jnp.int32)]
            + [pltpu.VMEM((_CHUNK, HIDDEN), jnp.float32) for _ in range(_NBUF)]
            + [pltpu.SemaphoreType.DMA for _ in range(2 * _NBUF)]
        ),
    )
    def gather_kernel(table_hbm, idx_hbm, out_hbm, idx_v, *scratch):
        bufs = scratch[:_NBUF]
        gsems = scratch[_NBUF:2 * _NBUF]
        ssems = scratch[2 * _NBUF:3 * _NBUF]
        wid = lax.axis_index("subcore") * _NUM_CORES + lax.axis_index("core")
        base = wid * rows_per_tile
        pltpu.sync_copy(idx_hbm.at[pl.ds(base, rows_per_tile)], idx_v)

        def gather_copy(c, i):
            return pltpu.make_async_copy(
                table_hbm.at[idx_v.at[pl.ds(c * _CHUNK, _CHUNK)]],
                bufs[i], gsems[i],
            )

        def store_copy(c, i):
            return pltpu.make_async_copy(
                bufs[i], out_hbm.at[pl.ds(base + c * _CHUNK, _CHUNK)], ssems[i]
            )

        for i in range(_NBUF - 1):
            if i < n_chunks:
                gather_copy(i, i).start()

        @pl.loop(0, n_chunks, step=_NBUF)
        def _(c):
            for p in range(_NBUF):
                i = p

                @pl.when(c + p < n_chunks)
                def _(c=c, p=p, i=i):
                    gather_copy(c + p, i).wait()
                    store_copy(c + p, i).start()
                    store_copy(c + p, i).wait()

                @pl.when(c + p + _NBUF - 1 < n_chunks)
                def _(c=c, p=p):
                    nxt = c + p + _NBUF - 1
                    gather_copy(nxt, (p + _NBUF - 1) % _NBUF).start()

    return gather_kernel(table, ids)


_SLICE_FRACTIONS = (2, 2)


def _tc_layernorm_slice(rows, mask_col, gamma_row, beta_row, big, block_offset, n):
    m = rows.shape[0]

    def body(x_ref, mask_ref, g_ref, b_ref, *rest):
        o_ref = rest[-1]
        x = x_ref[...]
        inv_h = jnp.float32(1.0 / HIDDEN)
        mean = jnp.sum(x, axis=1, keepdims=True) * inv_h
        ex2 = jnp.sum(x * x, axis=1, keepdims=True) * inv_h
        var = ex2 - mean * mean
        inv = lax.rsqrt(var + EPS) * mask_ref[...]
        o_ref[...] = (x - mean) * inv * g_ref[...] + b_ref[...]

    in_specs = [
        pl.BlockSpec((_LN_ROWS, HIDDEN), lambda i: (i, 0)),
        pl.BlockSpec((_LN_ROWS, 1), lambda i: (i, 0)),
        pl.BlockSpec((1, HIDDEN), lambda i: (0, 0)),
        pl.BlockSpec((1, HIDDEN), lambda i: (0, 0)),
    ]
    args = [rows, mask_col, gamma_row, beta_row]
    aliases = {}
    if big is not None:
        in_specs.append(pl.BlockSpec(memory_space=pl.ANY))
        args.append(big)
        aliases = {4: 0}

    return pl.pallas_call(
        body,
        grid=(m // _LN_ROWS,),
        in_specs=in_specs,
        out_specs=pl.BlockSpec(
            (_LN_ROWS, HIDDEN), lambda i, o=block_offset: (o + i, 0)
        ),
        out_shape=jax.ShapeDtypeStruct((n, HIDDEN), jnp.float32),
        input_output_aliases=aliases,
    )(*args)


def kernel(input_ids, table, gamma, beta):
    b, s = input_ids.shape
    ids = input_ids.reshape(-1).astype(jnp.int32)
    n = ids.shape[0]
    gamma_row = gamma.reshape(1, HIDDEN)
    beta_row = beta.reshape(1, HIDDEN)

    big = None
    offset = 0
    for frac in _SLICE_FRACTIONS:
        m = n // frac
        ids_k = lax.slice(ids, (offset,), (offset + m,))
        rows_k = _sc_gather(table, ids_k)
        mask_k = (ids_k != PAD_IDX).astype(jnp.float32).reshape(m, 1)
        big = _tc_layernorm_slice(
            rows_k, mask_k, gamma_row, beta_row,
            big, offset // _LN_ROWS, n,
        )
        offset += m
    return big.reshape(b, s, HIDDEN)

# --- scband reference (transcript-rebuilt; emitter-appended) ---
"""Pipeline reference for scband-temodern-bert-embeddings-84610855731796 (READ-ONLY COPY).

The authoritative reference and input builder live on the scoring server;
editing this copy changes nothing except your own understanding.
"""

import jax, jax.numpy as jnp
import numpy as np

VOCAB = 50368
HIDDEN = 768
PAD_IDX = 0
EPS = 1e-5

def setup_inputs(seed: int = 0) -> dict:
    key = jax.random.key(seed)
    k1, k2 = jax.random.split(key)
    input_ids = jax.random.randint(k1, (4, 8192), 0, VOCAB, dtype=jnp.int64 if jax.config.jax_enable_x64 else jnp.int32)
    table = jax.random.normal(k2, (VOCAB, HIDDEN), dtype=jnp.float32) * 0.02
    gamma = jnp.ones((HIDDEN,), dtype=jnp.float32)
    beta = jnp.zeros((HIDDEN,), dtype=jnp.float32)
    return {"input_ids": input_ids, "table": table, "gamma": gamma, "beta": beta}

def reference(input_ids, table, gamma, beta):
    # nn.Embedding with padding_idx: the padding row is (initialized to) zeros
    t = table.at[PAD_IDX].set(0.0)
    emb = jnp.take(t, input_ids, axis=0)  # [B, S, H] gather
    # te.LayerNorm over last dim
    mean = jnp.mean(emb, axis=-1, keepdims=True)
    var = jnp.mean((emb - mean) ** 2, axis=-1, keepdims=True)
    normed = (emb - mean) * jax.lax.rsqrt(var + EPS)
    out = normed * gamma + beta
    # Dropout is identity in eval / with p=0.0
    return out

if __name__ == "__main__":
    import jax
    _d = setup_inputs()
    print(jax.jit(kernel)(*tuple(_d.values())))

</pallas_src>

<mosaic_0001>
#map = affine_map<(d0, d1) -> (0, 0)>
#map1 = affine_map<(d0, d1) -> (0)>
module attributes {stable_mosaic.version = 14 : i64} {
  func.func @gather_kernel(%arg0: i32, %arg1: i32, %arg2: memref<50368x768xf32, #tpu.memory_space<hbm>>, %arg3: memref<16384xi32, #tpu.memory_space<hbm>>, %arg4: memref<16384x768xf32, #tpu.memory_space<hbm>>, %arg5: memref<512xi32, #tpu.memory_space<vmem>>, %arg6: memref<16x768xf32, #tpu.memory_space<vmem>>, %arg7: memref<16x768xf32, #tpu.memory_space<vmem>>, %arg8: memref<16x768xf32, #tpu.memory_space<vmem>>, %arg9: memref<16x768xf32, #tpu.memory_space<vmem>>, %arg10: memref<16x768xf32, #tpu.memory_space<vmem>>, %arg11: memref<16x768xf32, #tpu.memory_space<vmem>>, %arg12: memref<16x768xf32, #tpu.memory_space<vmem>>, %arg13: memref<16x768xf32, #tpu.memory_space<vmem>>, %arg14: memref<!tpu.dma_semaphore, #tpu.memory_space<semaphore_mem>>, %arg15: memref<!tpu.dma_semaphore, #tpu.memory_space<semaphore_mem>>, %arg16: memref<!tpu.dma_semaphore, #tpu.memory_space<semaphore_mem>>, %arg17: memref<!tpu.dma_semaphore, #tpu.memory_space<semaphore_mem>>, %arg18: memref<!tpu.dma_semaphore, #tpu.memory_space<semaphore_mem>>, %arg19: memref<!tpu.dma_semaphore, #tpu.memory_space<semaphore_mem>>, %arg20: memref<!tpu.dma_semaphore, #tpu.memory_space<semaphore_mem>>, %arg21: memref<!tpu.dma_semaphore, #tpu.memory_space<semaphore_mem>>, %arg22: memref<!tpu.dma_semaphore, #tpu.memory_space<semaphore_mem>>, %arg23: memref<!tpu.dma_semaphore, #tpu.memory_space<semaphore_mem>>, %arg24: memref<!tpu.dma_semaphore, #tpu.memory_space<semaphore_mem>>, %arg25: memref<!tpu.dma_semaphore, #tpu.memory_space<semaphore_mem>>, %arg26: memref<!tpu.dma_semaphore, #tpu.memory_space<semaphore_mem>>, %arg27: memref<!tpu.dma_semaphore, #tpu.memory_space<semaphore_mem>>, %arg28: memref<!tpu.dma_semaphore, #tpu.memory_space<semaphore_mem>>, %arg29: memref<!tpu.dma_semaphore, #tpu.memory_space<semaphore_mem>>) attributes {dimension_semantics = [#tpu.dimension_semantics<core_parallel>, #tpu.dimension_semantics<subcore_parallel>], iteration_bounds = array<i64: 2, 16>, scalar_prefetch = 0 : i64, scratch_operands = 25 : i64, tpu.core_type = #tpu.core_type<sc_vector_subcore>, window_params = [{transform_indices = #map}, {transform_indices = #map1}, {transform_indices = #map}]} {
    %mul3A = arith.constant 2 : i32
    %mul3A_0 = arith.muli %arg1, %mul3A : i32
    %add3A = arith.addi %mul3A_0, %arg0 : i32
    %mul3A_1 = arith.constant 512 : i32
    %mul3A_2 = arith.muli %add3A, %mul3A_1 : i32
    "tpu.region"() ({
      %run_scoped3A = tpu.sem_alloc : memref<!tpu.dma_semaphore, #tpu.memory_space<semaphore_mem>>
      %dma_start3A_41 = tpu.memref_slice %arg3[%mul3A_2] : memref<16384xi32, #tpu.memory_space<hbm>> -> memref<512xi32, #tpu.memory_space<hbm>>
      %dma_start3A_42 = tpu.memref_slice %arg3[%mul3A_2] : memref<16384xi32, #tpu.memory_space<hbm>> -> memref<512xi32, #tpu.memory_space<hbm>>
      tpu.enqueue_dma source(%dma_start3A_42 : memref<512xi32, #tpu.memory_space<hbm>>) target(%arg5 : memref<512xi32, #tpu.memory_space<vmem>>) target_semaphore(%run_scoped3A : memref<!tpu.dma_semaphore, #tpu.memory_space<semaphore_mem>>)
      %dma_wait3A = tpu.memref_slice %arg3[%mul3A_2] : memref<16384xi32, #tpu.memory_space<hbm>> -> memref<512xi32, #tpu.memory_space<hbm>>
      %dma_wait3A_43 = tpu.memref_slice %arg3[%mul3A_2] : memref<16384xi32, #tpu.memory_space<hbm>> -> memref<512xi32, #tpu.memory_space<hbm>>
      tpu.wait_dma2 semaphore(%run_scoped3A : memref<!tpu.dma_semaphore, #tpu.memory_space<semaphore_mem>>) src(%dma_wait3A_43 : memref<512xi32, #tpu.memory_space<hbm>>) dst(%arg5 : memref<512xi32, #tpu.memory_space<vmem>>)
      tpu.yield
    }) : () -> ()
    %dma_start3A = arith.constant 0 : i32
    %dma_start3A_3 = tpu.memref_slice %arg5[%dma_start3A] : memref<512xi32, #tpu.memory_space<vmem>> -> memref<16xi32, #tpu.memory_space<vmem>>
    %dma_start3A_4 = arith.constant 0 : i32
    %dma_start3A_5 = arith.constant 0 : i32
    %dma_start3A_6 = tpu.memref_slice %arg2[%dma_start3A_4, %dma_start3A_5] : memref<50368x768xf32, #tpu.memory_space<hbm>> -> memref<50368x768xf32, #tpu.memory_space<hbm>>
    tpu.enqueue_indirect_dma source(%dma_start3A_6 : memref<50368x768xf32, #tpu.memory_space<hbm>>) target(%arg6 : memref<16x768xf32, #tpu.memory_space<vmem>>) offsets(%dma_start3A_3 : memref<16xi32, #tpu.memory_space<vmem>>) semaphore(%arg14 : memref<!tpu.dma_semaphore, #tpu.memory_space<semaphore_mem>>)
    %dma_start3A_7 = arith.constant 16 : i32
    %dma_start3A_8 = tpu.memref_slice %arg5[%dma_start3A_7] : memref<512xi32, #tpu.memory_space<vmem>> -> memref<16xi32, #tpu.memory_space<vmem>>
    %dma_start3A_9 = arith.constant 0 : i32
    %dma_start3A_10 = arith.constant 0 : i32
    %dma_start3A_11 = tpu.memref_slice %arg2[%dma_start3A_9, %dma_start3A_10] : memref<50368x768xf32, #tpu.memory_space<hbm>> -> memref<50368x768xf32, #tpu.memory_space<hbm>>
    tpu.enqueue_indirect_dma source(%dma_start3A_11 : memref<50368x768xf32, #tpu.memory_space<hbm>>) target(%arg7 : memref<16x768xf32, #tpu.memory_space<vmem>>) offsets(%dma_start3A_8 : memref<16xi32, #tpu.memory_space<vmem>>) semaphore(%arg15 : memref<!tpu.dma_semaphore, #tpu.memory_space<semaphore_mem>>)
    %dma_start3A_12 = arith.constant 32 : i32
    %dma_start3A_13 = tpu.memref_slice %arg5[%dma_start3A_12] : memref<512xi32, #tpu.memory_space<vmem>> -> memref<16xi32, #tpu.memory_space<vmem>>
    %dma_start3A_14 = arith.constant 0 : i32
    %dma_start3A_15 = arith.constant 0 : i32
    %dma_start3A_16 = tpu.memref_slice %arg2[%dma_start3A_14, %dma_start3A_15] : memref<50368x768xf32, #tpu.memory_space<hbm>> -> memref<50368x768xf32, #tpu.memory_space<hbm>>
    tpu.enqueue_indirect_dma source(%dma_start3A_16 : memref<50368x768xf32, #tpu.memory_space<hbm>>) target(%arg8 : memref<16x768xf32, #tpu.memory_space<vmem>>) offsets(%dma_start3A_13 : memref<16xi32, #tpu.memory_space<vmem>>) semaphore(%arg16 : memref<!tpu.dma_semaphore, #tpu.memory_space<semaphore_mem>>)
    %dma_start3A_17 = arith.constant 48 : i32
    %dma_start3A_18 = tpu.memref_slice %arg5[%dma_start3A_17] : memref<512xi32, #tpu.memory_space<vmem>> -> memref<16xi32, #tpu.memory_space<vmem>>
    %dma_start3A_19 = arith.constant 0 : i32
    %dma_start3A_20 = arith.constant 0 : i32
    %dma_start3A_21 = tpu.memref_slice %arg2[%dma_start3A_19, %dma_start3A_20] : memref<50368x768xf32, #tpu.memory_space<hbm>> -> memref<50368x768xf32, #tpu.memory_space<hbm>>
    tpu.enqueue_indirect_dma source(%dma_start3A_21 : memref<50368x768xf32, #tpu.memory_space<hbm>>) target(%arg9 : memref<16x768xf32, #tpu.memory_space<vmem>>) offsets(%dma_start3A_18 : memref<16xi32, #tpu.memory_space<vmem>>) semaphore(%arg17 : memref<!tpu.dma_semaphore, #tpu.memory_space<semaphore_mem>>)
    %dma_start3A_22 = arith.constant 64 : i32
    %dma_start3A_23 = tpu.memref_slice %arg5[%dma_start3A_22] : memref<512xi32, #tpu.memory_space<vmem>> -> memref<16xi32, #tpu.memory_space<vmem>>
    %dma_start3A_24 = arith.constant 0 : i32
    %dma_start3A_25 = arith.constant 0 : i32
    %dma_start3A_26 = tpu.memref_slice %arg2[%dma_start3A_24, %dma_start3A_25] : memref<50368x768xf32, #tpu.memory_space<hbm>> -> memref<50368x768xf32, #tpu.memory_space<hbm>>
    tpu.enqueue_indirect_dma source(%dma_start3A_26 : memref<50368x768xf32, #tpu.memory_space<hbm>>) target(%arg10 : memref<16x768xf32, #tpu.memory_space<vmem>>) offsets(%dma_start3A_23 : memref<16xi32, #tpu.memory_space<vmem>>) semaphore(%arg18 : memref<!tpu.dma_semaphore, #tpu.memory_space<semaphore_mem>>)
    %dma_start3A_27 = arith.constant 80 : i32
    %dma_start3A_28 = tpu.memref_slice %arg5[%dma_start3A_27] : memref<512xi32, #tpu.memory_space<vmem>> -> memref<16xi32, #tpu.memory_space<vmem>>
    %dma_start3A_29 = arith.constant 0 : i32
    %dma_start3A_30 = arith.constant 0 : i32
    %dma_start3A_31 = tpu.memref_slice %arg2[%dma_start3A_29, %dma_start3A_30] : memref<50368x768xf32, #tpu.memory_space<hbm>> -> memref<50368x768xf32, #tpu.memory_space<hbm>>
    tpu.enqueue_indirect_dma source(%dma_start3A_31 : memref<50368x768xf32, #tpu.memory_space<hbm>>) target(%arg11 : memref<16x768xf32, #tpu.memory_space<vmem>>) offsets(%dma_start3A_28 : memref<16xi32, #tpu.memory_space<vmem>>) semaphore(%arg19 : memref<!tpu.dma_semaphore, #tpu.memory_space<semaphore_mem>>)
    %dma_start3A_32 = arith.constant 96 : i32
    %dma_start3A_33 = tpu.memref_slice %arg5[%dma_start3A_32] : memref<512xi32, #tpu.memory_space<vmem>> -> memref<16xi32, #tpu.memory_space<vmem>>
    %dma_start3A_34 = arith.constant 0 : i32
    %dma_start3A_35 = arith.constant 0 : i32
    %dma_start3A_36 = tpu.memref_slice %arg2[%dma_start3A_34, %dma_start3A_35] : memref<50368x768xf32, #tpu.memory_space<hbm>> -> memref<50368x768xf32, #tpu.memory_space<hbm>>
    tpu.enqueue_indirect_dma source(%dma_start3A_36 : memref<50368x768xf32, #tpu.memory_space<hbm>>) target(%arg12 : memref<16x768xf32, #tpu.memory_space<vmem>>) offsets(%dma_start3A_33 : memref<16xi32, #tpu.memory_space<vmem>>) semaphore(%arg20 : memref<!tpu.dma_semaphore, #tpu.memory_space<semaphore_mem>>)
    %scan3A = arith.constant 0 : i32
    %scan3A_37 = arith.constant 4 : i32
    %scan3A_38 = arith.addi %scan3A, %scan3A_37 : i32
    %scan3A_39 = arith.constant 1 : i32
    scf.for %scan3A_41 = %scan3A to %scan3A_38 step %scan3A_39  : i32 {
      %mul3A_42 = arith.constant 8 : i32
      %mul3A_43 = arith.muli %scan3A_41, %mul3A_42 : i32
      %add3A_44 = arith.constant 0 : i32
      %add3A_45 = arith.addi %add3A_44, %mul3A_43 : i32
      %add3A_46 = arith.constant 0 : i32
      %add3A_47 = arith.addi %add3A_45, %add3A_46 : i32
      %lt3A = arith.constant 32 : i32
      %lt3A_48 = arith.cmpi slt, %add3A_47, %lt3A : i32
      %convert_element_type3A = arith.extui %lt3A_48 : i1 to i32
      %cond3A = arith.constant 0 : i32
      %cond3A_49 = arith.cmpi ne, %convert_element_type3A, %cond3A : i32
      scf.if %cond3A_49 {
        %add3A_186 = arith.constant 0 : i32
        %add3A_187 = arith.addi %add3A_45, %add3A_186 : i32
        %mul3A_188 = arith.constant 16 : i32
        %mul3A_189 = arith.muli %add3A_187, %mul3A_188 : i32
        %dma_wait3A = tpu.memref_slice %arg5[%mul3A_189] : memref<512xi32, #tpu.memory_space<vmem>> -> memref<16xi32, #tpu.memory_space<vmem>>
        %dma_wait3A_190 = arith.constant 0 : i32
        %dma_wait3A_191 = arith.constant 0 : i32
        %dma_wait3A_192 = tpu.memref_slice %arg2[%dma_wait3A_190, %dma_wait3A_191] : memref<50368x768xf32, #tpu.memory_space<hbm>> -> memref<50368x768xf32, #tpu.memory_space<hbm>>
        tpu.wait_indirect_dma semaphore(%arg14 : memref<!tpu.dma_semaphore, #tpu.memory_space<semaphore_mem>>) src(%dma_wait3A_192 : memref<50368x768xf32, #tpu.memory_space<hbm>>) dst(%arg6 : memref<16x768xf32, #tpu.memory_space<vmem>>)
        %add3A_193 = arith.constant 0 : i32
        %add3A_194 = arith.addi %add3A_45, %add3A_193 : i32
        %mul3A_195 = arith.constant 16 : i32
        %mul3A_196 = arith.muli %add3A_194, %mul3A_195 : i32
        %add3A_197 = arith.addi %mul3A_2, %mul3A_196 : i32
        %dma_start3A_198 = arith.constant 0 : i32
        %dma_start3A_199 = tpu.memref_slice %arg4[%add3A_197, %dma_start3A_198] : memref<16384x768xf32, #tpu.memory_space<hbm>> -> memref<16x768xf32, #tpu.memory_space<hbm>>
        %dma_start3A_200 = arith.constant 0 : i32
        %dma_start3A_201 = tpu.memref_slice %arg4[%add3A_197, %dma_start3A_200] : memref<16384x768xf32, #tpu.memory_space<hbm>> -> memref<16x768xf32, #tpu.memory_space<hbm>>
        tpu.enqueue_dma source(%arg6 : memref<16x768xf32, #tpu.memory_space<vmem>>) target(%dma_start3A_201 : memref<16x768xf32, #tpu.memory_space<hbm>>) target_semaphore(%arg22 : memref<!tpu.dma_semaphore, #tpu.memory_space<semaphore_mem>>)
        %add3A_202 = arith.constant 0 : i32
        %add3A_203 = arith.addi %add3A_45, %add3A_202 : i32
        %mul3A_204 = arith.constant 16 : i32
        %mul3A_205 = arith.muli %add3A_203, %mul3A_204 : i32
        %add3A_206 = arith.addi %mul3A_2, %mul3A_205 : i32
        %dma_wait3A_207 = arith.constant 0 : i32
        %dma_wait3A_208 = tpu.memref_slice %arg4[%add3A_206, %dma_wait3A_207] : memref<16384x768xf32, #tpu.memory_space<hbm>> -> memref<16x768xf32, #tpu.memory_space<hbm>>
        %dma_wait3A_209 = arith.constant 0 : i32
        %dma_wait3A_210 = tpu.memref_slice %arg4[%add3A_206, %dma_wait3A_209] : memref<16384x768xf32, #tpu.memory_space<hbm>> -> memref<16x768xf32, #tpu.memory_space<hbm>>
        tpu.wait_dma2 semaphore(%arg22 : memref<!tpu.dma_semaphore, #tpu.memory_space<semaphore_mem>>) src(%arg6 : memref<16x768xf32, #tpu.memory_space<vmem>>) dst(%dma_wait3A_210 : memref<16x768xf32, #tpu.memory_space<hbm>>)
      } else {
      }
      %add3A_50 = arith.constant 0 : i32
      %add3A_51 = arith.addi %add3A_45, %add3A_50 : i32
      %add3A_52 = arith.constant 8 : i32
      %add3A_53 = arith.addi %add3A_51, %add3A_52 : i32
      %sub3A = arith.constant 1 : i32
      %sub3A_54 = arith.subi %add3A_53, %sub3A : i32
      %lt3A_55 = arith.constant 32 : i32
      %lt3A_56 = arith.cmpi slt, %sub3A_54, %lt3A_55 : i32
      %convert_element_type3A_57 = arith.extui %lt3A_56 : i1 to i32
      %cond3A_58 = arith.constant 0 : i32
      %cond3A_59 = arith.cmpi ne, %convert_element_type3A_57, %cond3A_58 : i32
      scf.if %cond3A_59 {
        %add3A_186 = arith.constant 0 : i32
        %add3A_187 = arith.addi %add3A_45, %add3A_186 : i32
        %add3A_188 = arith.constant 8 : i32
        %add3A_189 = arith.addi %add3A_187, %add3A_188 : i32
        %sub3A_190 = arith.constant 1 : i32
        %sub3A_191 = arith.subi %add3A_189, %sub3A_190 : i32
        %mul3A_192 = arith.constant 16 : i32
        %mul3A_193 = arith.muli %sub3A_191, %mul3A_192 : i32
        %dma_start3A_194 = tpu.memref_slice %arg5[%mul3A_193] : memref<512xi32, #tpu.memory_space<vmem>> -> memref<16xi32, #tpu.memory_space<vmem>>
        %dma_start3A_195 = arith.constant 0 : i32
        %dma_start3A_196 = arith.constant 0 : i32
        %dma_start3A_197 = tpu.memref_slice %arg2[%dma_start3A_195, %dma_start3A_196] : memref<50368x768xf32, #tpu.memory_space<hbm>> -> memref<50368x768xf32, #tpu.memory_space<hbm>>
        tpu.enqueue_indirect_dma source(%dma_start3A_197 : memref<50368x768xf32, #tpu.memory_space<hbm>>) target(%arg13 : memref<16x768xf32, #tpu.memory_space<vmem>>) offsets(%dma_start3A_194 : memref<16xi32, #tpu.memory_space<vmem>>) semaphore(%arg21 : memref<!tpu.dma_semaphore, #tpu.memory_space<semaphore_mem>>)
      } else {
      }
      %add3A_60 = arith.constant 1 : i32
      %add3A_61 = arith.addi %add3A_45, %add3A_60 : i32
      %lt3A_62 = arith.constant 32 : i32
      %lt3A_63 = arith.cmpi slt, %add3A_61, %lt3A_62 : i32
      %convert_element_type3A_64 = arith.extui %lt3A_63 : i1 to i32
      %cond3A_65 = arith.constant 0 : i32
      %cond3A_66 = arith.cmpi ne, %convert_element_type3A_64, %cond3A_65 : i32
      scf.if %cond3A_66 {
        %add3A_186 = arith.constant 1 : i32
        %add3A_187 = arith.addi %add3A_45, %add3A_186 : i32
        %mul3A_188 = arith.constant 16 : i32
        %mul3A_189 = arith.muli %add3A_187, %mul3A_188 : i32
        %dma_wait3A = tpu.memref_slice %arg5[%mul3A_189] : memref<512xi32, #tpu.memory_space<vmem>> -> memref<16xi32, #tpu.memory_space<vmem>>
        %dma_wait3A_190 = arith.constant 0 : i32
        %dma_wait3A_191 = arith.constant 0 : i32
        %dma_wait3A_192 = tpu.memref_slice %arg2[%dma_wait3A_190, %dma_wait3A_191] : memref<50368x768xf32, #tpu.memory_space<hbm>> -> memref<50368x768xf32, #tpu.memory_space<hbm>>
        tpu.wait_indirect_dma semaphore(%arg15 : memref<!tpu.dma_semaphore, #tpu.memory_space<semaphore_mem>>) src(%dma_wait3A_192 : memref<50368x768xf32, #tpu.memory_space<hbm>>) dst(%arg7 : memref<16x768xf32, #tpu.memory_space<vmem>>)
        %add3A_193 = arith.constant 1 : i32
        %add3A_194 = arith.addi %add3A_45, %add3A_193 : i32
        %mul3A_195 = arith.constant 16 : i32
        %mul3A_196 = arith.muli %add3A_194, %mul3A_195 : i32
        %add3A_197 = arith.addi %mul3A_2, %mul3A_196 : i32
        %dma_start3A_198 = arith.constant 0 : i32
        %dma_start3A_199 = tpu.memref_slice %arg4[%add3A_197, %dma_start3A_198] : memref<16384x768xf32, #tpu.memory_space<hbm>> -> memref<16x768xf32, #tpu.memory_space<hbm>>
        %dma_start3A_200 = arith.constant 0 : i32
        %dma_start3A_201 = tpu.memref_slice %arg4[%add3A_197, %dma_start3A_200] : memref<16384x768xf32, #tpu.memory_space<hbm>> -> memref<16x768xf32, #tpu.memory_space<hbm>>
        tpu.enqueue_dma source(%arg7 : memref<16x768xf32, #tpu.memory_space<vmem>>) target(%dma_start3A_201 : memref<16x768xf32, #tpu.memory_space<hbm>>) target_semaphore(%arg23 : memref<!tpu.dma_semaphore, #tpu.memory_space<semaphore_mem>>)
        %add3A_202 = arith.constant 1 : i32
        %add3A_203 = arith.addi %add3A_45, %add3A_202 : i32
        %mul3A_204 = arith.constant 16 : i32
        %mul3A_205 = arith.muli %add3A_203, %mul3A_204 : i32
        %add3A_206 = arith.addi %mul3A_2, %mul3A_205 : i32
        %dma_wait3A_207 = arith.constant 0 : i32
        %dma_wait3A_208 = tpu.memref_slice %arg4[%add3A_206, %dma_wait3A_207] : memref<16384x768xf32, #tpu.memory_space<hbm>> -> memref<16x768xf32, #tpu.memory_space<hbm>>
        %dma_wait3A_209 = arith.constant 0 : i32
        %dma_wait3A_210 = tpu.memref_slice %arg4[%add3A_206, %dma_wait3A_209] : memref<16384x768xf32, #tpu.memory_space<hbm>> -> memref<16x768xf32, #tpu.memory_space<hbm>>
        tpu.wait_dma2 semaphore(%arg23 : memref<!tpu.dma_semaphore, #tpu.memory_space<semaphore_mem>>) src(%arg7 : memref<16x768xf32, #tpu.memory_space<vmem>>) dst(%dma_wait3A_210 : memref<16x768xf32, #tpu.memory_space<hbm>>)
      } else {
      }
      %add3A_67 = arith.constant 1 : i32
      %add3A_68 = arith.addi %add3A_45, %add3A_67 : i32
      %add3A_69 = arith.constant 8 : i32
      %add3A_70 = arith.addi %add3A_68, %add3A_69 : i32
      %sub3A_71 = arith.constant 1 : i32
      %sub3A_72 = arith.subi %add3A_70, %sub3A_71 : i32
      %lt3A_73 = arith.constant 32 : i32
      %lt3A_74 = arith.cmpi slt, %sub3A_72, %lt3A_73 : i32
      %convert_element_type3A_75 = arith.extui %lt3A_74 : i1 to i32
      %cond3A_76 = arith.constant 0 : i32
      %cond3A_77 = arith.cmpi ne, %convert_element_type3A_75, %cond3A_76 : i32
      scf.if %cond3A_77 {
        %add3A_186 = arith.constant 1 : i32
        %add3A_187 = arith.addi %add3A_45, %add3A_186 : i32
        %add3A_188 = arith.constant 8 : i32
        %add3A_189 = arith.addi %add3A_187, %add3A_188 : i32
        %sub3A_190 = arith.constant 1 : i32
        %sub3A_191 = arith.subi %add3A_189, %sub3A_190 : i32
        %mul3A_192 = arith.constant 16 : i32
        %mul3A_193 = arith.muli %sub3A_191, %mul3A_192 : i32
        %dma_start3A_194 = tpu.memref_slice %arg5[%mul3A_193] : memref<512xi32, #tpu.memory_space<vmem>> -> memref<16xi32, #tpu.memory_space<vmem>>
        %dma_start3A_195 = arith.constant 0 : i32
        %dma_start3A_196 = arith.constant 0 : i32
        %dma_start3A_197 = tpu.memref_slice %arg2[%dma_start3A_195, %dma_start3A_196] : memref<50368x768xf32, #tpu.memory_space<hbm>> -> memref<50368x768xf32, #tpu.memory_space<hbm>>
        tpu.enqueue_indirect_dma source(%dma_start3A_197 : memref<50368x768xf32, #tpu.memory_space<hbm>>) target(%arg6 : memref<16x768xf32, #tpu.memory_space<vmem>>) offsets(%dma_start3A_194 : memref<16xi32, #tpu.memory_space<vmem>>) semaphore(%arg14 : memref<!tpu.dma_semaphore, #tpu.memory_space<semaphore_mem>>)
      } else {
      }
      %add3A_78 = arith.constant 2 : i32
      %add3A_79 = arith.addi %add3A_45, %add3A_78 : i32
      %lt3A_80 = arith.constant 32 : i32
      %lt3A_81 = arith.cmpi slt, %add3A_79, %lt3A_80 : i32
      %convert_element_type3A_82 = arith.extui %lt3A_81 : i1 to i32
      %cond3A_83 = arith.constant 0 : i32
      %cond3A_84 = arith.cmpi ne, %convert_element_type3A_82, %cond3A_83 : i32
      scf.if %cond3A_84 {
        %add3A_186 = arith.constant 2 : i32
        %add3A_187 = arith.addi %add3A_45, %add3A_186 : i32
        %mul3A_188 = arith.constant 16 : i32
        %mul3A_189 = arith.muli %add3A_187, %mul3A_188 : i32
        %dma_wait3A = tpu.memref_slice %arg5[%mul3A_189] : memref<512xi32, #tpu.memory_space<vmem>> -> memref<16xi32, #tpu.memory_space<vmem>>
        %dma_wait3A_190 = arith.constant 0 : i32
        %dma_wait3A_191 = arith.constant 0 : i32
        %dma_wait3A_192 = tpu.memref_slice %arg2[%dma_wait3A_190, %dma_wait3A_191] : memref<50368x768xf32, #tpu.memory_space<hbm>> -> memref<50368x768xf32, #tpu.memory_space<hbm>>
        tpu.wait_indirect_dma semaphore(%arg16 : memref<!tpu.dma_semaphore, #tpu.memory_space<semaphore_mem>>) src(%dma_wait3A_192 : memref<50368x768xf32, #tpu.memory_space<hbm>>) dst(%arg8 : memref<16x768xf32, #tpu.memory_space<vmem>>)
        %add3A_193 = arith.constant 2 : i32
        %add3A_194 = arith.addi %add3A_45, %add3A_193 : i32
        %mul3A_195 = arith.constant 16 : i32
        %mul3A_196 = arith.muli %add3A_194, %mul3A_195 : i32
        %add3A_197 = arith.addi %mul3A_2, %mul3A_196 : i32
        %dma_start3A_198 = arith.constant 0 : i32
        %dma_start3A_199 = tpu.memref_slice %arg4[%add3A_197, %dma_start3A_198] : memref<16384x768xf32, #tpu.memory_space<hbm>> -> memref<16x768xf32, #tpu.memory_space<hbm>>
        %dma_start3A_200 = arith.constant 0 : i32
        %dma_start3A_201 = tpu.memref_slice %arg4[%add3A_197, %dma_start3A_200] : memref<16384x768xf32, #tpu.memory_space<hbm>> -> memref<16x768xf32, #tpu.memory_space<hbm>>
        tpu.enqueue_dma source(%arg8 : memref<16x768xf32, #tpu.memory_space<vmem>>) target(%dma_start3A_201 : memref<16x768xf32, #tpu.memory_space<hbm>>) target_semaphore(%arg24 : memref<!tpu.dma_semaphore, #tpu.memory_space<semaphore_mem>>)
        %add3A_202 = arith.constant 2 : i32
        %add3A_203 = arith.addi %add3A_45, %add3A_202 : i32
        %mul3A_204 = arith.constant 16 : i32
        %mul3A_205 = arith.muli %add3A_203, %mul3A_204 : i32
        %add3A_206 = arith.addi %mul3A_2, %mul3A_205 : i32
        %dma_wait3A_207 = arith.constant 0 : i32
        %dma_wait3A_208 = tpu.memref_slice %arg4[%add3A_206, %dma_wait3A_207] : memref<16384x768xf32, #tpu.memory_space<hbm>> -> memref<16x768xf32, #tpu.memory_space<hbm>>
        %dma_wait3A_209 = arith.constant 0 : i32
        %dma_wait3A_210 = tpu.memref_slice %arg4[%add3A_206, %dma_wait3A_209] : memref<16384x768xf32, #tpu.memory_space<hbm>> -> memref<16x768xf32, #tpu.memory_space<hbm>>
        tpu.wait_dma2 semaphore(%arg24 : memref<!tpu.dma_semaphore, #tpu.memory_space<semaphore_mem>>) src(%arg8 : memref<16x768xf32, #tpu.memory_space<vmem>>) dst(%dma_wait3A_210 : memref<16x768xf32, #tpu.memory_space<hbm>>)
      } else {
      }
      %add3A_85 = arith.constant 2 : i32
      %add3A_86 = arith.addi %add3A_45, %add3A_85 : i32
      %add3A_87 = arith.constant 8 : i32
      %add3A_88 = arith.addi %add3A_86, %add3A_87 : i32
      %sub3A_89 = arith.constant 1 : i32
      %sub3A_90 = arith.subi %add3A_88, %sub3A_89 : i32
      %lt3A_91 = arith.constant 32 : i32
      %lt3A_92 = arith.cmpi slt, %sub3A_90, %lt3A_91 : i32
      %convert_element_type3A_93 = arith.extui %lt3A_92 : i1 to i32
      %cond3A_94 = arith.constant 0 : i32
      %cond3A_95 = arith.cmpi ne, %convert_element_type3A_93, %cond3A_94 : i32
      scf.if %cond3A_95 {
        %add3A_186 = arith.constant 2 : i32
        %add3A_187 = arith.addi %add3A_45, %add3A_186 : i32
        %add3A_188 = arith.constant 8 : i32
        %add3A_189 = arith.addi %add3A_187, %add3A_188 : i32
        %sub3A_190 = arith.constant 1 : i32
        %sub3A_191 = arith.subi %add3A_189, %sub3A_190 : i32
        %mul3A_192 = arith.constant 16 : i32
        %mul3A_193 = arith.muli %sub3A_191, %mul3A_192 : i32
        %dma_start3A_194 = tpu.memref_slice %arg5[%mul3A_193] : memref<512xi32, #tpu.memory_space<vmem>> -> memref<16xi32, #tpu.memory_space<vmem>>
        %dma_start3A_195 = arith.constant 0 : i32
        %dma_start3A_196 = arith.constant 0 : i32
        %dma_start3A_197 = tpu.memref_slice %arg2[%dma_start3A_195, %dma_start3A_196] : memref<50368x768xf32, #tpu.memory_space<hbm>> -> memref<50368x768xf32, #tpu.memory_space<hbm>>
        tpu.enqueue_indirect_dma source(%dma_start3A_197 : memref<50368x768xf32, #tpu.memory_space<hbm>>) target(%arg7 : memref<16x768xf32, #tpu.memory_space<vmem>>) offsets(%dma_start3A_194 : memref<16xi32, #tpu.memory_space<vmem>>) semaphore(%arg15 : memref<!tpu.dma_semaphore, #tpu.memory_space<semaphore_mem>>)
      } else {
      }
      %add3A_96 = arith.constant 3 : i32
      %add3A_97 = arith.addi %add3A_45, %add3A_96 : i32
      %lt3A_98 = arith.constant 32 : i32
      %lt3A_99 = arith.cmpi slt, %add3A_97, %lt3A_98 : i32
      %convert_element_type3A_100 = arith.extui %lt3A_99 : i1 to i32
      %cond3A_101 = arith.constant 0 : i32
      %cond3A_102 = arith.cmpi ne, %convert_element_type3A_100, %cond3A_101 : i32
      scf.if %cond3A_102 {
        %add3A_186 = arith.constant 3 : i32
        %add3A_187 = arith.addi %add3A_45, %add3A_186 : i32
        %mul3A_188 = arith.constant 16 : i32
        %mul3A_189 = arith.muli %add3A_187, %mul3A_188 : i32
        %dma_wait3A = tpu.memref_slice %arg5[%mul3A_189] : memref<512xi32, #tpu.memory_space<vmem>> -> memref<16xi32, #tpu.memory_space<vmem>>
        %dma_wait3A_190 = arith.constant 0 : i32
        %dma_wait3A_191 = arith.constant 0 : i32
        %dma_wait3A_192 = tpu.memref_slice %arg2[%dma_wait3A_190, %dma_wait3A_191] : memref<50368x768xf32, #tpu.memory_space<hbm>> -> memref<50368x768xf32, #tpu.memory_space<hbm>>
        tpu.wait_indirect_dma semaphore(%arg17 : memref<!tpu.dma_semaphore, #tpu.memory_space<semaphore_mem>>) src(%dma_wait3A_192 : memref<50368x768xf32, #tpu.memory_space<hbm>>) dst(%arg9 : memref<16x768xf32, #tpu.memory_space<vmem>>)
        %add3A_193 = arith.constant 3 : i32
        %add3A_194 = arith.addi %add3A_45, %add3A_193 : i32
        %mul3A_195 = arith.constant 16 : i32
        %mul3A_196 = arith.muli %add3A_194, %mul3A_195 : i32
        %add3A_197 = arith.addi %mul3A_2, %mul3A_196 : i32
        %dma_start3A_198 = arith.constant 0 : i32
        %dma_start3A_199 = tpu.memref_slice %arg4[%add3A_197, %dma_start3A_198] : memref<16384x768xf32, #tpu.memory_space<hbm>> -> memref<16x768xf32, #tpu.memory_space<hbm>>
        %dma_start3A_200 = arith.constant 0 : i32
        %dma_start3A_201 = tpu.memref_slice %arg4[%add3A_197, %dma_start3A_200] : memref<16384x768xf32, #tpu.memory_space<hbm>> -> memref<16x768xf32, #tpu.memory_space<hbm>>
        tpu.enqueue_dma source(%arg9 : memref<16x768xf32, #tpu.memory_space<vmem>>) target(%dma_start3A_201 : memref<16x768xf32, #tpu.memory_space<hbm>>) target_semaphore(%arg25 : memref<!tpu.dma_semaphore, #tpu.memory_space<semaphore_mem>>)
        %add3A_202 = arith.constant 3 : i32
        %add3A_203 = arith.addi %add3A_45, %add3A_202 : i32
        %mul3A_204 = arith.constant 16 : i32
        %mul3A_205 = arith.muli %add3A_203, %mul3A_204 : i32
        %add3A_206 = arith.addi %mul3A_2, %mul3A_205 : i32
        %dma_wait3A_207 = arith.constant 0 : i32
        %dma_wait3A_208 = tpu.memref_slice %arg4[%add3A_206, %dma_wait3A_207] : memref<16384x768xf32, #tpu.memory_space<hbm>> -> memref<16x768xf32, #tpu.memory_space<hbm>>
        %dma_wait3A_209 = arith.constant 0 : i32
        %dma_wait3A_210 = tpu.memref_slice %arg4[%add3A_206, %dma_wait3A_209] : memref<16384x768xf32, #tpu.memory_space<hbm>> -> memref<16x768xf32, #tpu.memory_space<hbm>>
        tpu.wait_dma2 semaphore(%arg25 : memref<!tpu.dma_semaphore, #tpu.memory_space<semaphore_mem>>) src(%arg9 : memref<16x768xf32, #tpu.memory_space<vmem>>) dst(%dma_wait3A_210 : memref<16x768xf32, #tpu.memory_space<hbm>>)
      } else {
      }
      %add3A_103 = arith.constant 3 : i32
      %add3A_104 = arith.addi %add3A_45, %add3A_103 : i32
      %add3A_105 = arith.constant 8 : i32
      %add3A_106 = arith.addi %add3A_104, %add3A_105 : i32
      %sub3A_107 = arith.constant 1 : i32
      %sub3A_108 = arith.subi %add3A_106, %sub3A_107 : i32
      %lt3A_109 = arith.constant 32 : i32
      %lt3A_110 = arith.cmpi slt, %sub3A_108, %lt3A_109 : i32
      %convert_element_type3A_111 = arith.extui %lt3A_110 : i1 to i32
      %cond3A_112 = arith.constant 0 : i32
      %cond3A_113 = arith.cmpi ne, %convert_element_type3A_111, %cond3A_112 : i32
      scf.if %cond3A_113 {
        %add3A_186 = arith.constant 3 : i32
        %add3A_187 = arith.addi %add3A_45, %add3A_186 : i32
        %add3A_188 = arith.constant 8 : i32
        %add3A_189 = arith.addi %add3A_187, %add3A_188 : i32
        %sub3A_190 = arith.constant 1 : i32
        %sub3A_191 = arith.subi %add3A_189, %sub3A_190 : i32
        %mul3A_192 = arith.constant 16 : i32
        %mul3A_193 = arith.muli %sub3A_191, %mul3A_192 : i32
        %dma_start3A_194 = tpu.memref_slice %arg5[%mul3A_193] : memref<512xi32, #tpu.memory_space<vmem>> -> memref<16xi32, #tpu.memory_space<vmem>>
        %dma_start3A_195 = arith.constant 0 : i32
        %dma_start3A_196 = arith.constant 0 : i32
        %dma_start3A_197 = tpu.memref_slice %arg2[%dma_start3A_195, %dma_start3A_196] : memref<50368x768xf32, #tpu.memory_space<hbm>> -> memref<50368x768xf32, #tpu.memory_space<hbm>>
        tpu.enqueue_indirect_dma source(%dma_start3A_197 : memref<50368x768xf32, #tpu.memory_space<hbm>>) target(%arg8 : memref<16x768xf32, #tpu.memory_space<vmem>>) offsets(%dma_start3A_194 : memref<16xi32, #tpu.memory_space<vmem>>) semaphore(%arg16 : memref<!tpu.dma_semaphore, #tpu.memory_space<semaphore_mem>>)
      } else {
      }
      %add3A_114 = arith.constant 4 : i32
      %add3A_115 = arith.addi %add3A_45, %add3A_114 : i32
      %lt3A_116 = arith.constant 32 : i32
      %lt3A_117 = arith.cmpi slt, %add3A_115, %lt3A_116 : i32
      %convert_element_type3A_118 = arith.extui %lt3A_117 : i1 to i32
      %cond3A_119 = arith.constant 0 : i32
      %cond3A_120 = arith.cmpi ne, %convert_element_type3A_118, %cond3A_119 : i32
      scf.if %cond3A_120 {
        %add3A_186 = arith.constant 4 : i32
        %add3A_187 = arith.addi %add3A_45, %add3A_186 : i32
        %mul3A_188 = arith.constant 16 : i32
        %mul3A_189 = arith.muli %add3A_187, %mul3A_188 : i32
        %dma_wait3A = tpu.memref_slice %arg5[%mul3A_189] : memref<512xi32, #tpu.memory_space<vmem>> -> memref<16xi32, #tpu.memory_space<vmem>>
        %dma_wait3A_190 = arith.constant 0 : i32
        %dma_wait3A_191 = arith.constant 0 : i32
        %dma_wait3A_192 = tpu.memref_slice %arg2[%dma_wait3A_190, %dma_wait3A_191] : memref<50368x768xf32, #tpu.memory_space<hbm>> -> memref<50368x768xf32, #tpu.memory_space<hbm>>
        tpu.wait_indirect_dma semaphore(%arg18 : memref<!tpu.dma_semaphore, #tpu.memory_space<semaphore_mem>>) src(%dma_wait3A_192 : memref<50368x768xf32, #tpu.memory_space<hbm>>) dst(%arg10 : memref<16x768xf32, #tpu.memory_space<vmem>>)
        %add3A_193 = arith.constant 4 : i32
        %add3A_194 = arith.addi %add3A_45, %add3A_193 : i32
        %mul3A_195 = arith.constant 16 : i32
        %mul3A_196 = arith.muli %add3A_194, %mul3A_195 : i32
        %add3A_197 = arith.addi %mul3A_2, %mul3A_196 : i32
        %dma_start3A_198 = arith.constant 0 : i32
        %dma_start3A_199 = tpu.memref_slice %arg4[%add3A_197, %dma_start3A_198] : memref<16384x768xf32, #tpu.memory_space<hbm>> -> memref<16x768xf32, #tpu.memory_space<hbm>>
        %dma_start3A_200 = arith.constant 0 : i32
        %dma_start3A_201 = tpu.memref_slice %arg4[%add3A_197, %dma_start3A_200] : memref<16384x768xf32, #tpu.memory_space<hbm>> -> memref<16x768xf32, #tpu.memory_space<hbm>>
        tpu.enqueue_dma source(%arg10 : memref<16x768xf32, #tpu.memory_space<vmem>>) target(%dma_start3A_201 : memref<16x768xf32, #tpu.memory_space<hbm>>) target_semaphore(%arg26 : memref<!tpu.dma_semaphore, #tpu.memory_space<semaphore_mem>>)
        %add3A_202 = arith.constant 4 : i32
        %add3A_203 = arith.addi %add3A_45, %add3A_202 : i32
        %mul3A_204 = arith.constant 16 : i32
        %mul3A_205 = arith.muli %add3A_203, %mul3A_204 : i32
        %add3A_206 = arith.addi %mul3A_2, %mul3A_205 : i32
        %dma_wait3A_207 = arith.constant 0 : i32
        %dma_wait3A_208 = tpu.memref_slice %arg4[%add3A_206, %dma_wait3A_207] : memref<16384x768xf32, #tpu.memory_space<hbm>> -> memref<16x768xf32, #tpu.memory_space<hbm>>
        %dma_wait3A_209 = arith.constant 0 : i32
        %dma_wait3A_210 = tpu.memref_slice %arg4[%add3A_206, %dma_wait3A_209] : memref<16384x768xf32, #tpu.memory_space<hbm>> -> memref<16x768xf32, #tpu.memory_space<hbm>>
        tpu.wait_dma2 semaphore(%arg26 : memref<!tpu.dma_semaphore, #tpu.memory_space<semaphore_mem>>) src(%arg10 : memref<16x768xf32, #tpu.memory_space<vmem>>) dst(%dma_wait3A_210 : memref<16x768xf32, #tpu.memory_space<hbm>>)
      } else {
      }
      %add3A_121 = arith.constant 4 : i32
      %add3A_122 = arith.addi %add3A_45, %add3A_121 : i32
      %add3A_123 = arith.constant 8 : i32
      %add3A_124 = arith.addi %add3A_122, %add3A_123 : i32
      %sub3A_125 = arith.constant 1 : i32
      %sub3A_126 = arith.subi %add3A_124, %sub3A_125 : i32
      %lt3A_127 = arith.constant 32 : i32
      %lt3A_128 = arith.cmpi slt, %sub3A_126, %lt3A_127 : i32
      %convert_element_type3A_129 = arith.extui %lt3A_128 : i1 to i32
      %cond3A_130 = arith.constant 0 : i32
      %cond3A_131 = arith.cmpi ne, %convert_element_type3A_129, %cond3A_130 : i32
      scf.if %cond3A_131 {
        %add3A_186 = arith.constant 4 : i32
        %add3A_187 = arith.addi %add3A_45, %add3A_186 : i32
        %add3A_188 = arith.constant 8 : i32
        %add3A_189 = arith.addi %add3A_187, %add3A_188 : i32
        %sub3A_190 = arith.constant 1 : i32
        %sub3A_191 = arith.subi %add3A_189, %sub3A_190 : i32
        %mul3A_192 = arith.constant 16 : i32
        %mul3A_193 = arith.muli %sub3A_191, %mul3A_192 : i32
        %dma_start3A_194 = tpu.memref_slice %arg5[%mul3A_193] : memref<512xi32, #tpu.memory_space<vmem>> -> memref<16xi32, #tpu.memory_space<vmem>>
        %dma_start3A_195 = arith.constant 0 : i32
        %dma_start3A_196 = arith.constant 0 : i32
        %dma_start3A_197 = tpu.memref_slice %arg2[%dma_start3A_195, %dma_start3A_196] : memref<50368x768xf32, #tpu.memory_space<hbm>> -> memref<50368x768xf32, #tpu.memory_space<hbm>>
        tpu.enqueue_indirect_dma source(%dma_start3A_197 : memref<50368x768xf32, #tpu.memory_space<hbm>>) target(%arg9 : memref<16x768xf32, #tpu.memory_space<vmem>>) offsets(%dma_start3A_194 : memref<16xi32, #tpu.memory_space<vmem>>) semaphore(%arg17 : memref<!tpu.dma_semaphore, #tpu.memory_space<semaphore_mem>>)
      } else {
      }
      %add3A_132 = arith.constant 5 : i32
      %add3A_133 = arith.addi %add3A_45, %add3A_132 : i32
      %lt3A_134 = arith.constant 32 : i32
      %lt3A_135 = arith.cmpi slt, %add3A_133, %lt3A_134 : i32
      %convert_element_type3A_136 = arith.extui %lt3A_135 : i1 to i32
      %cond3A_137 = arith.constant 0 : i32
      %cond3A_138 = arith.cmpi ne, %convert_element_type3A_136, %cond3A_137 : i32
      scf.if %cond3A_138 {
        %add3A_186 = arith.constant 5 : i32
        %add3A_187 = arith.addi %add3A_45, %add3A_186 : i32
        %mul3A_188 = arith.constant 16 : i32
        %mul3A_189 = arith.muli %add3A_187, %mul3A_188 : i32
        %dma_wait3A = tpu.memref_slice %arg5[%mul3A_189] : memref<512xi32, #tpu.memory_space<vmem>> -> memref<16xi32, #tpu.memory_space<vmem>>
        %dma_wait3A_190 = arith.constant 0 : i32
        %dma_wait3A_191 = arith.constant 0 : i32
        %dma_wait3A_192 = tpu.memref_slice %arg2[%dma_wait3A_190, %dma_wait3A_191] : memref<50368x768xf32, #tpu.memory_space<hbm>> -> memref<50368x768xf32, #tpu.memory_space<hbm>>
        tpu.wait_indirect_dma semaphore(%arg19 : memref<!tpu.dma_semaphore, #tpu.memory_space<semaphore_mem>>) src(%dma_wait3A_192 : memref<50368x768xf32, #tpu.memory_space<hbm>>) dst(%arg11 : memref<16x768xf32, #tpu.memory_space<vmem>>)
        %add3A_193 = arith.constant 5 : i32
        %add3A_194 = arith.addi %add3A_45, %add3A_193 : i32
        %mul3A_195 = arith.constant 16 : i32
        %mul3A_196 = arith.muli %add3A_194, %mul3A_195 : i32
        %add3A_197 = arith.addi %mul3A_2, %mul3A_196 : i32
        %dma_start3A_198 = arith.constant 0 : i32
        %dma_start3A_199 = tpu.memref_slice %arg4[%add3A_197, %dma_start3A_198] : memref<16384x768xf32, #tpu.memory_space<hbm>> -> memref<16x768xf32, #tpu.memory_space<hbm>>
        %dma_start3A_200 = arith.constant 0 : i32
        %dma_start3A_201 = tpu.memref_slice %arg4[%add3A_197, %dma_start3A_200] : memref<16384x768xf32, #tpu.memory_space<hbm>> -> memref<16x768xf32, #tpu.memory_space<hbm>>
        tpu.enqueue_dma source(%arg11 : memref<16x768xf32, #tpu.memory_space<vmem>>) target(%dma_start3A_201 : memref<16x768xf32, #tpu.memory_space<hbm>>) target_semaphore(%arg27 : memref<!tpu.dma_semaphore, #tpu.memory_space<semaphore_mem>>)
        %add3A_202 = arith.constant 5 : i32
        %add3A_203 = arith.addi %add3A_45, %add3A_202 : i32
        %mul3A_204 = arith.constant 16 : i32
        %mul3A_205 = arith.muli %add3A_203, %mul3A_204 : i32
        %add3A_206 = arith.addi %mul3A_2, %mul3A_205 : i32
        %dma_wait3A_207 = arith.constant 0 : i32
        %dma_wait3A_208 = tpu.memref_slice %arg4[%add3A_206, %dma_wait3A_207] : memref<16384x768xf32, #tpu.memory_space<hbm>> -> memref<16x768xf32, #tpu.memory_space<hbm>>
        %dma_wait3A_209 = arith.constant 0 : i32
        %dma_wait3A_210 = tpu.memref_slice %arg4[%add3A_206, %dma_wait3A_209] : memref<16384x768xf32, #tpu.memory_space<hbm>> -> memref<16x768xf32, #tpu.memory_space<hbm>>
        tpu.wait_dma2 semaphore(%arg27 : memref<!tpu.dma_semaphore, #tpu.memory_space<semaphore_mem>>) src(%arg11 : memref<16x768xf32, #tpu.memory_space<vmem>>) dst(%dma_wait3A_210 : memref<16x768xf32, #tpu.memory_space<hbm>>)
      } else {
      }
      %add3A_139 = arith.constant 5 : i32
      %add3A_140 = arith.addi %add3A_45, %add3A_139 : i32
      %add3A_141 = arith.constant 8 : i32
      %add3A_142 = arith.addi %add3A_140, %add3A_141 : i32
      %sub3A_143 = arith.constant 1 : i32
      %sub3A_144 = arith.subi %add3A_142, %sub3A_143 : i32
      %lt3A_145 = arith.constant 32 : i32
      %lt3A_146 = arith.cmpi slt, %sub3A_144, %lt3A_145 : i32
      %convert_element_type3A_147 = arith.extui %lt3A_146 : i1 to i32
      %cond3A_148 = arith.constant 0 : i32
      %cond3A_149 = arith.cmpi ne, %convert_element_type3A_147, %cond3A_148 : i32
      scf.if %cond3A_149 {
        %add3A_186 = arith.constant 5 : i32
        %add3A_187 = arith.addi %add3A_45, %add3A_186 : i32
        %add3A_188 = arith.constant 8 : i32
        %add3A_189 = arith.addi %add3A_187, %add3A_188 : i32
        %sub3A_190 = arith.constant 1 : i32
        %sub3A_191 = arith.subi %add3A_189, %sub3A_190 : i32
        %mul3A_192 = arith.constant 16 : i32
        %mul3A_193 = arith.muli %sub3A_191, %mul3A_192 : i32
        %dma_start3A_194 = tpu.memref_slice %arg5[%mul3A_193] : memref<512xi32, #tpu.memory_space<vmem>> -> memref<16xi32, #tpu.memory_space<vmem>>
        %dma_start3A_195 = arith.constant 0 : i32
        %dma_start3A_196 = arith.constant 0 : i32
        %dma_start3A_197 = tpu.memref_slice %arg2[%dma_start3A_195, %dma_start3A_196] : memref<50368x768xf32, #tpu.memory_space<hbm>> -> memref<50368x768xf32, #tpu.memory_space<hbm>>
        tpu.enqueue_indirect_dma source(%dma_start3A_197 : memref<50368x768xf32, #tpu.memory_space<hbm>>) target(%arg10 : memref<16x768xf32, #tpu.memory_space<vmem>>) offsets(%dma_start3A_194 : memref<16xi32, #tpu.memory_space<vmem>>) semaphore(%arg18 : memref<!tpu.dma_semaphore, #tpu.memory_space<semaphore_mem>>)
      } else {
      }
      %add3A_150 = arith.constant 6 : i32
      %add3A_151 = arith.addi %add3A_45, %add3A_150 : i32
      %lt3A_152 = arith.constant 32 : i32
      %lt3A_153 = arith.cmpi slt, %add3A_151, %lt3A_152 : i32
      %convert_element_type3A_154 = arith.extui %lt3A_153 : i1 to i32
      %cond3A_155 = arith.constant 0 : i32
      %cond3A_156 = arith.cmpi ne, %convert_element_type3A_154, %cond3A_155 : i32
      scf.if %cond3A_156 {
        %add3A_186 = arith.constant 6 : i32
        %add3A_187 = arith.addi %add3A_45, %add3A_186 : i32
        %mul3A_188 = arith.constant 16 : i32
        %mul3A_189 = arith.muli %add3A_187, %mul3A_188 : i32
        %dma_wait3A = tpu.memref_slice %arg5[%mul3A_189] : memref<512xi32, #tpu.memory_space<vmem>> -> memref<16xi32, #tpu.memory_space<vmem>>
        %dma_wait3A_190 = arith.constant 0 : i32
        %dma_wait3A_191 = arith.constant 0 : i32
        %dma_wait3A_192 = tpu.memref_slice %arg2[%dma_wait3A_190, %dma_wait3A_191] : memref<50368x768xf32, #tpu.memory_space<hbm>> -> memref<50368x768xf32, #tpu.memory_space<hbm>>
        tpu.wait_indirect_dma semaphore(%arg20 : memref<!tpu.dma_semaphore, #tpu.memory_space<semaphore_mem>>) src(%dma_wait3A_192 : memref<50368x768xf32, #tpu.memory_space<hbm>>) dst(%arg12 : memref<16x768xf32, #tpu.memory_space<vmem>>)
        %add3A_193 = arith.constant 6 : i32
        %add3A_194 = arith.addi %add3A_45, %add3A_193 : i32
        %mul3A_195 = arith.constant 16 : i32
        %mul3A_196 = arith.muli %add3A_194, %mul3A_195 : i32
        %add3A_197 = arith.addi %mul3A_2, %mul3A_196 : i32
        %dma_start3A_198 = arith.constant 0 : i32
        %dma_start3A_199 = tpu.memref_slice %arg4[%add3A_197, %dma_start3A_198] : memref<16384x768xf32, #tpu.memory_space<hbm>> -> memref<16x768xf32, #tpu.memory_space<hbm>>
        %dma_start3A_200 = arith.constant 0 : i32
        %dma_start3A_201 = tpu.memref_slice %arg4[%add3A_197, %dma_start3A_200] : memref<16384x768xf32, #tpu.memory_space<hbm>> -> memref<16x768xf32, #tpu.memory_space<hbm>>
        tpu.enqueue_dma source(%arg12 : memref<16x768xf32, #tpu.memory_space<vmem>>) target(%dma_start3A_201 : memref<16x768xf32, #tpu.memory_space<hbm>>) target_semaphore(%arg28 : memref<!tpu.dma_semaphore, #tpu.memory_space<semaphore_mem>>)
        %add3A_202 = arith.constant 6 : i32
        %add3A_203 = arith.addi %add3A_45, %add3A_202 : i32
        %mul3A_204 = arith.constant 16 : i32
        %mul3A_205 = arith.muli %add3A_203, %mul3A_204 : i32
        %add3A_206 = arith.addi %mul3A_2, %mul3A_205 : i32
        %dma_wait3A_207 = arith.constant 0 : i32
        %dma_wait3A_208 = tpu.memref_slice %arg4[%add3A_206, %dma_wait3A_207] : memref<16384x768xf32, #tpu.memory_space<hbm>> -> memref<16x768xf32, #tpu.memory_space<hbm>>
        %dma_wait3A_209 = arith.constant 0 : i32
        %dma_wait3A_210 = tpu.memref_slice %arg4[%add3A_206, %dma_wait3A_209] : memref<16384x768xf32, #tpu.memory_space<hbm>> -> memref<16x768xf32, #tpu.memory_space<hbm>>
        tpu.wait_dma2 semaphore(%arg28 : memref<!tpu.dma_semaphore, #tpu.memory_space<semaphore_mem>>) src(%arg12 : memref<16x768xf32, #tpu.memory_space<vmem>>) dst(%dma_wait3A_210 : memref<16x768xf32, #tpu.memory_space<hbm>>)
      } else {
      }
      %add3A_157 = arith.constant 6 : i32
      %add3A_158 = arith.addi %add3A_45, %add3A_157 : i32
      %add3A_159 = arith.constant 8 : i32
      %add3A_160 = arith.addi %add3A_158, %add3A_159 : i32
      %sub3A_161 = arith.constant 1 : i32
      %sub3A_162 = arith.subi %add3A_160, %sub3A_161 : i32
      %lt3A_163 = arith.constant 32 : i32
      %lt3A_164 = arith.cmpi slt, %sub3A_162, %lt3A_163 : i32
      %convert_element_type3A_165 = arith.extui %lt3A_164 : i1 to i32
      %cond3A_166 = arith.constant 0 : i32
      %cond3A_167 = arith.cmpi ne, %convert_element_type3A_165, %cond3A_166 : i32
      scf.if %cond3A_167 {
        %add3A_186 = arith.constant 6 : i32
        %add3A_187 = arith.addi %add3A_45, %add3A_186 : i32
        %add3A_188 = arith.constant 8 : i32
        %add3A_189 = arith.addi %add3A_187, %add3A_188 : i32
        %sub3A_190 = arith.constant 1 : i32
        %sub3A_191 = arith.subi %add3A_189, %sub3A_190 : i32
        %mul3A_192 = arith.constant 16 : i32
        %mul3A_193 = arith.muli %sub3A_191, %mul3A_192 : i32
        %dma_start3A_194 = tpu.memref_slice %arg5[%mul3A_193] : memref<512xi32, #tpu.memory_space<vmem>> -> memref<16xi32, #tpu.memory_space<vmem>>
        %dma_start3A_195 = arith.constant 0 : i32
        %dma_start3A_196 = arith.constant 0 : i32
        %dma_start3A_197 = tpu.memref_slice %arg2[%dma_start3A_195, %dma_start3A_196] : memref<50368x768xf32, #tpu.memory_space<hbm>> -> memref<50368x768xf32, #tpu.memory_space<hbm>>
        tpu.enqueue_indirect_dma source(%dma_start3A_197 : memref<50368x768xf32, #tpu.memory_space<hbm>>) target(%arg11 : memref<16x768xf32, #tpu.memory_space<vmem>>) offsets(%dma_start3A_194 : memref<16xi32, #tpu.memory_space<vmem>>) semaphore(%arg19 : memref<!tpu.dma_semaphore, #tpu.memory_space<semaphore_mem>>)
      } else {
      }
      %add3A_168 = arith.constant 7 : i32
      %add3A_169 = arith.addi %add3A_45, %add3A_168 : i32
      %lt3A_170 = arith.constant 32 : i32
      %lt3A_171 = arith.cmpi slt, %add3A_169, %lt3A_170 : i32
      %convert_element_type3A_172 = arith.extui %lt3A_171 : i1 to i32
      %cond3A_173 = arith.constant 0 : i32
      %cond3A_174 = arith.cmpi ne, %convert_element_type3A_172, %cond3A_173 : i32
      scf.if %cond3A_174 {
        %add3A_186 = arith.constant 7 : i32
        %add3A_187 = arith.addi %add3A_45, %add3A_186 : i32
        %mul3A_188 = arith.constant 16 : i32
        %mul3A_189 = arith.muli %add3A_187, %mul3A_188 : i32
        %dma_wait3A = tpu.memref_slice %arg5[%mul3A_189] : memref<512xi32, #tpu.memory_space<vmem>> -> memref<16xi32, #tpu.memory_space<vmem>>
        %dma_wait3A_190 = arith.constant 0 : i32
        %dma_wait3A_191 = arith.constant 0 : i32
        %dma_wait3A_192 = tpu.memref_slice %arg2[%dma_wait3A_190, %dma_wait3A_191] : memref<50368x768xf32, #tpu.memory_space<hbm>> -> memref<50368x768xf32, #tpu.memory_space<hbm>>
        tpu.wait_indirect_dma semaphore(%arg21 : memref<!tpu.dma_semaphore, #tpu.memory_space<semaphore_mem>>) src(%dma_wait3A_192 : memref<50368x768xf32, #tpu.memory_space<hbm>>) dst(%arg13 : memref<16x768xf32, #tpu.memory_space<vmem>>)
        %add3A_193 = arith.constant 7 : i32
        %add3A_194 = arith.addi %add3A_45, %add3A_193 : i32
        %mul3A_195 = arith.constant 16 : i32
        %mul3A_196 = arith.muli %add3A_194, %mul3A_195 : i32
        %add3A_197 = arith.addi %mul3A_2, %mul3A_196 : i32
        %dma_start3A_198 = arith.constant 0 : i32
        %dma_start3A_199 = tpu.memref_slice %arg4[%add3A_197, %dma_start3A_198] : memref<16384x768xf32, #tpu.memory_space<hbm>> -> memref<16x768xf32, #tpu.memory_space<hbm>>
        %dma_start3A_200 = arith.constant 0 : i32
        %dma_start3A_201 = tpu.memref_slice %arg4[%add3A_197, %dma_start3A_200] : memref<16384x768xf32, #tpu.memory_space<hbm>> -> memref<16x768xf32, #tpu.memory_space<hbm>>
        tpu.enqueue_dma source(%arg13 : memref<16x768xf32, #tpu.memory_space<vmem>>) target(%dma_start3A_201 : memref<16x768xf32, #tpu.memory_space<hbm>>) target_semaphore(%arg29 : memref<!tpu.dma_semaphore, #tpu.memory_space<semaphore_mem>>)
        %add3A_202 = arith.constant 7 : i32
        %add3A_203 = arith.addi %add3A_45, %add3A_202 : i32
        %mul3A_204 = arith.constant 16 : i32
        %mul3A_205 = arith.muli %add3A_203, %mul3A_204 : i32
        %add3A_206 = arith.addi %mul3A_2, %mul3A_205 : i32
        %dma_wait3A_207 = arith.constant 0 : i32
        %dma_wait3A_208 = tpu.memref_slice %arg4[%add3A_206, %dma_wait3A_207] : memref<16384x768xf32, #tpu.memory_space<hbm>> -> memref<16x768xf32, #tpu.memory_space<hbm>>
        %dma_wait3A_209 = arith.constant 0 : i32
        %dma_wait3A_210 = tpu.memref_slice %arg4[%add3A_206, %dma_wait3A_209] : memref<16384x768xf32, #tpu.memory_space<hbm>> -> memref<16x768xf32, #tpu.memory_space<hbm>>
        tpu.wait_dma2 semaphore(%arg29 : memref<!tpu.dma_semaphore, #tpu.memory_space<semaphore_mem>>) src(%arg13 : memref<16x768xf32, #tpu.memory_space<vmem>>) dst(%dma_wait3A_210 : memref<16x768xf32, #tpu.memory_space<hbm>>)
      } else {
      }
      %add3A_175 = arith.constant 7 : i32
      %add3A_176 = arith.addi %add3A_45, %add3A_175 : i32
      %add3A_177 = arith.constant 8 : i32
      %add3A_178 = arith.addi %add3A_176, %add3A_177 : i32
      %sub3A_179 = arith.constant 1 : i32
      %sub3A_180 = arith.subi %add3A_178, %sub3A_179 : i32
      %lt3A_181 = arith.constant 32 : i32
      %lt3A_182 = arith.cmpi slt, %sub3A_180, %lt3A_181 : i32
      %convert_element_type3A_183 = arith.extui %lt3A_182 : i1 to i32
      %cond3A_184 = arith.constant 0 : i32
      %cond3A_185 = arith.cmpi ne, %convert_element_type3A_183, %cond3A_184 : i32
      scf.if %cond3A_185 {
        %add3A_186 = arith.constant 7 : i32
        %add3A_187 = arith.addi %add3A_45, %add3A_186 : i32
        %add3A_188 = arith.constant 8 : i32
        %add3A_189 = arith.addi %add3A_187, %add3A_188 : i32
        %sub3A_190 = arith.constant 1 : i32
        %sub3A_191 = arith.subi %add3A_189, %sub3A_190 : i32
        %mul3A_192 = arith.constant 16 : i32
        %mul3A_193 = arith.muli %sub3A_191, %mul3A_192 : i32
        %dma_start3A_194 = tpu.memref_slice %arg5[%mul3A_193] : memref<512xi32, #tpu.memory_space<vmem>> -> memref<16xi32, #tpu.memory_space<vmem>>
        %dma_start3A_195 = arith.constant 0 : i32
        %dma_start3A_196 = arith.constant 0 : i32
        %dma_start3A_197 = tpu.memref_slice %arg2[%dma_start3A_195, %dma_start3A_196] : memref<50368x768xf32, #tpu.memory_space<hbm>> -> memref<50368x768xf32, #tpu.memory_space<hbm>>
        tpu.enqueue_indirect_dma source(%dma_start3A_197 : memref<50368x768xf32, #tpu.memory_space<hbm>>) target(%arg12 : memref<16x768xf32, #tpu.memory_space<vmem>>) offsets(%dma_start3A_194 : memref<16xi32, #tpu.memory_space<vmem>>) semaphore(%arg20 : memref<!tpu.dma_semaphore, #tpu.memory_space<semaphore_mem>>)
      } else {
      }
    }
    %scan3A_40 = arith.constant 4 : i32
    return
  }
}

#map = affine_map<(d0, d1) -> (0, 0)>
#map1 = affine_map<(d0, d1) -> (0)>
module attributes {stable_mosaic.version = 14 : i64} {
  func.func @gather_kernel(%arg0: i32, %arg1: i32, %arg2: memref<50368x768xf32, #tpu.memory_space<hbm>>, %arg3: memref<16384xi32, #tpu.memory_space<hbm>>, %arg4: memref<16384x768xf32, #tpu.memory_space<hbm>>, %arg5: memref<512xi32, #tpu.memory_space<vmem>>, %arg6: memref<16x768xf32, #tpu.memory_space<vmem>>, %arg7: memref<16x768xf32, #tpu.memory_space<vmem>>, %arg8: memref<16x768xf32, #tpu.memory_space<vmem>>, %arg9: memref<16x768xf32, #tpu.memory_space<vmem>>, %arg10: memref<16x768xf32, #tpu.memory_space<vmem>>, %arg11: memref<16x768xf32, #tpu.memory_space<vmem>>, %arg12: memref<16x768xf32, #tpu.memory_space<vmem>>, %arg13: memref<16x768xf32, #tpu.memory_space<vmem>>, %arg14: memref<!tpu.dma_semaphore, #tpu.memory_space<semaphore_mem>>, %arg15: memref<!tpu.dma_semaphore, #tpu.memory_space<semaphore_mem>>, %arg16: memref<!tpu.dma_semaphore, #tpu.memory_space<semaphore_mem>>, %arg17: memref<!tpu.dma_semaphore, #tpu.memory_space<semaphore_mem>>, %arg18: memref<!tpu.dma_semaphore, #tpu.memory_space<semaphore_mem>>, %arg19: memref<!tpu.dma_semaphore, #tpu.memory_space<semaphore_mem>>, %arg20: memref<!tpu.dma_semaphore, #tpu.memory_space<semaphore_mem>>, %arg21: memref<!tpu.dma_semaphore, #tpu.memory_space<semaphore_mem>>, %arg22: memref<!tpu.dma_semaphore, #tpu.memory_space<semaphore_mem>>, %arg23: memref<!tpu.dma_semaphore, #tpu.memory_space<semaphore_mem>>, %arg24: memref<!tpu.dma_semaphore, #tpu.memory_space<semaphore_mem>>, %arg25: memref<!tpu.dma_semaphore, #tpu.memory_space<semaphore_mem>>, %arg26: memref<!tpu.dma_semaphore, #tpu.memory_space<semaphore_mem>>, %arg27: memref<!tpu.dma_semaphore, #tpu.memory_space<semaphore_mem>>, %arg28: memref<!tpu.dma_semaphore, #tpu.memory_space<semaphore_mem>>, %arg29: memref<!tpu.dma_semaphore, #tpu.memory_space<semaphore_mem>>) attributes {dimension_semantics = [#tpu.dimension_semantics<core_parallel>, #tpu.dimension_semantics<subcore_parallel>], iteration_bounds = array<i64: 2, 16>, scalar_prefetch = 0 : i64, scratch_operands = 25 : i64, tpu.core_type = #tpu.core_type<sc_vector_subcore>, window_params = [{transform_indices = #map}, {transform_indices = #map1}, {transform_indices = #map}]} {
    %mul3A = arith.constant 2 : i32
    %mul3A_0 = arith.muli %arg1, %mul3A : i32
    %add3A = arith.addi %mul3A_0, %arg0 : i32
    %mul3A_1 = arith.constant 512 : i32
    %mul3A_2 = arith.muli %add3A, %mul3A_1 : i32
    "tpu.region"() ({
      %run_scoped3A = tpu.sem_alloc : memref<!tpu.dma_semaphore, #tpu.memory_space<semaphore_mem>>
      %dma_start3A_41 = tpu.memref_slice %arg3[%mul3A_2] : memref<16384xi32, #tpu.memory_space<hbm>> -> memref<512xi32, #tpu.memory_space<hbm>>
      %dma_start3A_42 = tpu.memref_slice %arg3[%mul3A_2] : memref<16384xi32, #tpu.memory_space<hbm>> -> memref<512xi32, #tpu.memory_space<hbm>>
      tpu.enqueue_dma source(%dma_start3A_42 : memref<512xi32, #tpu.memory_space<hbm>>) target(%arg5 : memref<512xi32, #tpu.memory_space<vmem>>) target_semaphore(%run_scoped3A : memref<!tpu.dma_semaphore, #tpu.memory_space<semaphore_mem>>)
      %dma_wait3A = tpu.memref_slice %arg3[%mul3A_2] : memref<16384xi32, #tpu.memory_space<hbm>> -> memref<512xi32, #tpu.memory_space<hbm>>
      %dma_wait3A_43 = tpu.memref_slice %arg3[%mul3A_2] : memref<16384xi32, #tpu.memory_space<hbm>> -> memref<512xi32, #tpu.memory_space<hbm>>
      tpu.wait_dma2 semaphore(%run_scoped3A : memref<!tpu.dma_semaphore, #tpu.memory_space<semaphore_mem>>) src(%dma_wait3A_43 : memref<512xi32, #tpu.memory_space<hbm>>) dst(%arg5 : memref<512xi32, #tpu.memory_space<vmem>>)
      tpu.yield
    }) : () -> ()
    %dma_start3A = arith.constant 0 : i32
    %dma_start3A_3 = tpu.memref_slice %arg5[%dma_start3A] : memref<512xi32, #tpu.memory_space<vmem>> -> memref<16xi32, #tpu.memory_space<vmem>>
    %dma_start3A_4 = arith.constant 0 : i32
    %dma_start3A_5 = arith.constant 0 : i32
    %dma_start3A_6 = tpu.memref_slice %arg2[%dma_start3A_4, %dma_start3A_5] : memref<50368x768xf32, #tpu.memory_space<hbm>> -> memref<50368x768xf32, #tpu.memory_space<hbm>>
    tpu.enqueue_indirect_dma source(%dma_start3A_6 : memref<50368x768xf32, #tpu.memory_space<hbm>>) target(%arg6 : memref<16x768xf32, #tpu.memory_space<vmem>>) offsets(%dma_start3A_3 : memref<16xi32, #tpu.memory_space<vmem>>) semaphore(%arg14 : memref<!tpu.dma_semaphore, #tpu.memory_space<semaphore_mem>>)
    %dma_start3A_7 = arith.constant 16 : i32
    %dma_start3A_8 = tpu.memref_slice %arg5[%dma_start3A_7] : memref<512xi32, #tpu.memory_space<vmem>> -> memref<16xi32, #tpu.memory_space<vmem>>
    %dma_start3A_9 = arith.constant 0 : i32
    %dma_start3A_10 = arith.constant 0 : i32
    %dma_start3A_11 = tpu.memref_slice %arg2[%dma_start3A_9, %dma_start3A_10] : memref<50368x768xf32, #tpu.memory_space<hbm>> -> memref<50368x768xf32, #tpu.memory_space<hbm>>
    tpu.enqueue_indirect_dma source(%dma_start3A_11 : memref<50368x768xf32, #tpu.memory_space<hbm>>) target(%arg7 : memref<16x768xf32, #tpu.memory_space<vmem>>) offsets(%dma_start3A_8 : memref<16xi32, #tpu.memory_space<vmem>>) semaphore(%arg15 : memref<!tpu.dma_semaphore, #tpu.memory_space<semaphore_mem>>)
    %dma_start3A_12 = arith.constant 32 : i32
    %dma_start3A_13 = tpu.memref_slice %arg5[%dma_start3A_12] : memref<512xi32, #tpu.memory_space<vmem>> -> memref<16xi32, #tpu.memory_space<vmem>>
    %dma_start3A_14 = arith.constant 0 : i32
    %dma_start3A_15 = arith.constant 0 : i32
    %dma_start3A_16 = tpu.memref_slice %arg2[%dma_start3A_14, %dma_start3A_15] : memref<50368x768xf32, #tpu.memory_space<hbm>> -> memref<50368x768xf32, #tpu.memory_space<hbm>>
    tpu.enqueue_indirect_dma source(%dma_start3A_16 : memref<50368x768xf32, #tpu.memory_space<hbm>>) target(%arg8 : memref<16x768xf32, #tpu.memory_space<vmem>>) offsets(%dma_start3A_13 : memref<16xi32, #tpu.memory_space<vmem>>) semaphore(%arg16 : memref<!tpu.dma_semaphore, #tpu.memory_space<semaphore_mem>>)
    %dma_start3A_17 = arith.constant 48 : i32
    %dma_start3A_18 = tpu.memref_slice %arg5[%dma_start3A_17] : memref<512xi32, #tpu.memory_space<vmem>> -> memref<16xi32, #tpu.memory_space<vmem>>
    %dma_start3A_19 = arith.constant 0 : i32
    %dma_start3A_20 = arith.constant 0 : i32
    %dma_start3A_21 = tpu.memref_slice %arg2[%dma_start3A_19, %dma_start3A_20] : memref<50368x768xf32, #tpu.memory_space<hbm>> -> memref<50368x768xf32, #tpu.memory_space<hbm>>
    tpu.enqueue_indirect_dma source(%dma_start3A_21 : memref<50368x768xf32, #tpu.memory_space<hbm>>) target(%arg9 : memref<16x768xf32, #tpu.memory_space<vmem>>) offsets(%dma_start3A_18 : memref<16xi32, #tpu.memory_space<vmem>>) semaphore(%arg17 : memref<!tpu.dma_semaphore, #tpu.memory_space<semaphore_mem>>)
    %dma_start3A_22 = arith.constant 64 : i32
    %dma_start3A_23 = tpu.memref_slice %arg5[%dma_start3A_22] : memref<512xi32, #tpu.memory_space<vmem>> -> memref<16xi32, #tpu.memory_space<vmem>>
    %dma_start3A_24 = arith.constant 0 : i32
    %dma_start3A_25 = arith.constant 0 : i32
    %dma_start3A_26 = tpu.memref_slice %arg2[%dma_start3A_24, %dma_start3A_25] : memref<50368x768xf32, #tpu.memory_space<hbm>> -> memref<50368x768xf32, #tpu.memory_space<hbm>>
    tpu.enqueue_indirect_dma source(%dma_start3A_26 : memref<50368x768xf32, #tpu.memory_space<hbm>>) target(%arg10 : memref<16x768xf32, #tpu.memory_space<vmem>>) offsets(%dma_start3A_23 : memref<16xi32, #tpu.memory_space<vmem>>) semaphore(%arg18 : memref<!tpu.dma_semaphore, #tpu.memory_space<semaphore_mem>>)
    %dma_start3A_27 = arith.constant 80 : i32
    %dma_start3A_28 = tpu.memref_slice %arg5[%dma_start3A_27] : memref<512xi32, #tpu.memory_space<vmem>> -> memref<16xi32, #tpu.memory_space<vmem>>
    %dma_start3A_29 = arith.constant 0 : i32
    %dma_start3A_30 = arith.constant 0 : i32
    %dma_start3A_31 = tpu.memref_slice %arg2[%dma_start3A_29, %dma_start3A_30] : memref<50368x768xf32, #tpu.memory_space<hbm>> -> memref<50368x768xf32, #tpu.memory_space<hbm>>
    tpu.enqueue_indirect_dma source(%dma_start3A_31 : memref<50368x768xf32, #tpu.memory_space<hbm>>) target(%arg11 : memref<16x768xf32, #tpu.memory_space<vmem>>) offsets(%dma_start3A_28 : memref<16xi32, #tpu.memory_space<vmem>>) semaphore(%arg19 : memref<!tpu.dma_semaphore, #tpu.memory_space<semaphore_mem>>)
    %dma_start3A_32 = arith.constant 96 : i32
    %dma_start3A_33 = tpu.memref_slice %arg5[%dma_start3A_32] : memref<512xi32, #tpu.memory_space<vmem>> -> memref<16xi32, #tpu.memory_space<vmem>>
    %dma_start3A_34 = arith.constant 0 : i32
    %dma_start3A_35 = arith.constant 0 : i32
    %dma_start3A_36 = tpu.memref_slice %arg2[%dma_start3A_34, %dma_start3A_35] : memref<50368x768xf32, #tpu.memory_space<hbm>> -> memref<50368x768xf32, #tpu.memory_space<hbm>>
    tpu.enqueue_indirect_dma source(%dma_start3A_36 : memref<50368x768xf32, #tpu.memory_space<hbm>>) target(%arg12 : memref<16x768xf32, #tpu.memory_space<vmem>>) offsets(%dma_start3A_33 : memref<16xi32, #tpu.memory_space<vmem>>) semaphore(%arg20 : memref<!tpu.dma_semaphore, #tpu.memory_space<semaphore_mem>>)
    %scan3A = arith.constant 0 : i32
    %scan3A_37 = arith.constant 4 : i32
    %scan3A_38 = arith.addi %scan3A, %scan3A_37 : i32
    %scan3A_39 = arith.constant 1 : i32
    scf.for %scan3A_41 = %scan3A to %scan3A_38 step %scan3A_39  : i32 {
      %mul3A_42 = arith.constant 8 : i32
      %mul3A_43 = arith.muli %scan3A_41, %mul3A_42 : i32
      %add3A_44 = arith.constant 0 : i32
      %add3A_45 = arith.addi %add3A_44, %mul3A_43 : i32
      %add3A_46 = arith.constant 0 : i32
      %add3A_47 = arith.addi %add3A_45, %add3A_46 : i32
      %lt3A = arith.constant 32 : i32
      %lt3A_48 = arith.cmpi slt, %add3A_47, %lt3A : i32
      %convert_element_type3A = arith.extui %lt3A_48 : i1 to i32
      %cond3A = arith.constant 0 : i32
      %cond3A_49 = arith.cmpi ne, %convert_element_type3A, %cond3A : i32
      scf.if %cond3A_49 {
        %add3A_186 = arith.constant 0 : i32
        %add3A_187 = arith.addi %add3A_45, %add3A_186 : i32
        %mul3A_188 = arith.constant 16 : i32
        %mul3A_189 = arith.muli %add3A_187, %mul3A_188 : i32
        %dma_wait3A = tpu.memref_slice %arg5[%mul3A_189] : memref<512xi32, #tpu.memory_space<vmem>> -> memref<16xi32, #tpu.memory_space<vmem>>
        %dma_wait3A_190 = arith.constant 0 : i32
        %dma_wait3A_191 = arith.constant 0 : i32
        %dma_wait3A_192 = tpu.memref_slice %arg2[%dma_wait3A_190, %dma_wait3A_191] : memref<50368x768xf32, #tpu.memory_space<hbm>> -> memref<50368x768xf32, #tpu.memory_space<hbm>>
        tpu.wait_indirect_dma semaphore(%arg14 : memref<!tpu.dma_semaphore, #tpu.memory_space<semaphore_mem>>) src(%dma_wait3A_192 : memref<50368x768xf32, #tpu.memory_space<hbm>>) dst(%arg6 : memref<16x768xf32, #tpu.memory_space<vmem>>)
        %add3A_193 = arith.constant 0 : i32
        %add3A_194 = arith.addi %add3A_45, %add3A_193 : i32
        %mul3A_195 = arith.constant 16 : i32
        %mul3A_196 = arith.muli %add3A_194, %mul3A_195 : i32
        %add3A_197 = arith.addi %mul3A_2, %mul3A_196 : i32
        %dma_start3A_198 = arith.constant 0 : i32
        %dma_start3A_199 = tpu.memref_slice %arg4[%add3A_197, %dma_start3A_198] : memref<16384x768xf32, #tpu.memory_space<hbm>> -> memref<16x768xf32, #tpu.memory_space<hbm>>
        %dma_start3A_200 = arith.constant 0 : i32
        %dma_start3A_201 = tpu.memref_slice %arg4[%add3A_197, %dma_start3A_200] : memref<16384x768xf32, #tpu.memory_space<hbm>> -> memref<16x768xf32, #tpu.memory_space<hbm>>
        tpu.enqueue_dma source(%arg6 : memref<16x768xf32, #tpu.memory_space<vmem>>) target(%dma_start3A_201 : memref<16x768xf32, #tpu.memory_space<hbm>>) target_semaphore(%arg22 : memref<!tpu.dma_semaphore, #tpu.memory_space<semaphore_mem>>)
        %add3A_202 = arith.constant 0 : i32
        %add3A_203 = arith.addi %add3A_45, %add3A_202 : i32
        %mul3A_204 = arith.constant 16 : i32
        %mul3A_205 = arith.muli %add3A_203, %mul3A_204 : i32
        %add3A_206 = arith.addi %mul3A_2, %mul3A_205 : i32
        %dma_wait3A_207 = arith.constant 0 : i32
        %dma_wait3A_208 = tpu.memref_slice %arg4[%add3A_206, %dma_wait3A_207] : memref<16384x768xf32, #tpu.memory_space<hbm>> -> memref<16x768xf32, #tpu.memory_space<hbm>>
        %dma_wait3A_209 = arith.constant 0 : i32
        %dma_wait3A_210 = tpu.memref_slice %arg4[%add3A_206, %dma_wait3A_209] : memref<16384x768xf32, #tpu.memory_space<hbm>> -> memref<16x768xf32, #tpu.memory_space<hbm>>
        tpu.wait_dma2 semaphore(%arg22 : memref<!tpu.dma_semaphore, #tpu.memory_space<semaphore_mem>>) src(%arg6 : memref<16x768xf32, #tpu.memory_space<vmem>>) dst(%dma_wait3A_210 : memref<16x768xf32, #tpu.memory_space<hbm>>)
      } else {
      }
      %add3A_50 = arith.constant 0 : i32
      %add3A_51 = arith.addi %add3A_45, %add3A_50 : i32
      %add3A_52 = arith.constant 8 : i32
      %add3A_53 = arith.addi %add3A_51, %add3A_52 : i32
      %sub3A = arith.constant 1 : i32
      %sub3A_54 = arith.subi %add3A_53, %sub3A : i32
      %lt3A_55 = arith.constant 32 : i32
      %lt3A_56 = arith.cmpi slt, %sub3A_54, %lt3A_55 : i32
      %convert_element_type3A_57 = arith.extui %lt3A_56 : i1 to i32
      %cond3A_58 = arith.constant 0 : i32
      %cond3A_59 = arith.cmpi ne, %convert_element_type3A_57, %cond3A_58 : i32
      scf.if %cond3A_59 {
        %add3A_186 = arith.constant 0 : i32
        %add3A_187 = arith.addi %add3A_45, %add3A_186 : i32
        %add3A_188 = arith.constant 8 : i32
        %add3A_189 = arith.addi %add3A_187, %add3A_188 : i32
        %sub3A_190 = arith.constant 1 : i32
        %sub3A_191 = arith.subi %add3A_189, %sub3A_190 : i32
        %mul3A_192 = arith.constant 16 : i32
        %mul3A_193 = arith.muli %sub3A_191, %mul3A_192 : i32
        %dma_start3A_194 = tpu.memref_slice %arg5[%mul3A_193] : memref<512xi32, #tpu.memory_space<vmem>> -> memref<16xi32, #tpu.memory_space<vmem>>
        %dma_start3A_195 = arith.constant 0 : i32
        %dma_start3A_196 = arith.constant 0 : i32
        %dma_start3A_197 = tpu.memref_slice %arg2[%dma_start3A_195, %dma_start3A_196] : memref<50368x768xf32, #tpu.memory_space<hbm>> -> memref<50368x768xf32, #tpu.memory_space<hbm>>
        tpu.enqueue_indirect_dma source(%dma_start3A_197 : memref<50368x768xf32, #tpu.memory_space<hbm>>) target(%arg13 : memref<16x768xf32, #tpu.memory_space<vmem>>) offsets(%dma_start3A_194 : memref<16xi32, #tpu.memory_space<vmem>>) semaphore(%arg21 : memref<!tpu.dma_semaphore, #tpu.memory_space<semaphore_mem>>)
      } else {
      }
      %add3A_60 = arith.constant 1 : i32
      %add3A_61 = arith.addi %add3A_45, %add3A_60 : i32
      %lt3A_62 = arith.constant 32 : i32
      %lt3A_63 = arith.cmpi slt, %add3A_61, %lt3A_62 : i32
      %convert_element_type3A_64 = arith.extui %lt3A_63 : i1 to i32
      %cond3A_65 = arith.constant 0 : i32
      %cond3A_66 = arith.cmpi ne, %convert_element_type3A_64, %cond3A_65 : i32
      scf.if %cond3A_66 {
        %add3A_186 = arith.constant 1 : i32
        %add3A_187 = arith.addi %add3A_45, %add3A_186 : i32
        %mul3A_188 = arith.constant 16 : i32
        %mul3A_189 = arith.muli %add3A_187, %mul3A_188 : i32
        %dma_wait3A = tpu.memref_slice %arg5[%mul3A_189] : memref<512xi32, #tpu.memory_space<vmem>> -> memref<16xi32, #tpu.memory_space<vmem>>
        %dma_wait3A_190 = arith.constant 0 : i32
        %dma_wait3A_191 = arith.constant 0 : i32
        %dma_wait3A_192 = tpu.memref_slice %arg2[%dma_wait3A_190, %dma_wait3A_191] : memref<50368x768xf32, #tpu.memory_space<hbm>> -> memref<50368x768xf32, #tpu.memory_space<hbm>>
        tpu.wait_indirect_dma semaphore(%arg15 : memref<!tpu.dma_semaphore, #tpu.memory_space<semaphore_mem>>) src(%dma_wait3A_192 : memref<50368x768xf32, #tpu.memory_space<hbm>>) dst(%arg7 : memref<16x768xf32, #tpu.memory_space<vmem>>)
        %add3A_193 = arith.constant 1 : i32
        %add3A_194 = arith.addi %add3A_45, %add3A_193 : i32
        %mul3A_195 = arith.constant 16 : i32
        %mul3A_196 = arith.muli %add3A_194, %mul3A_195 : i32
        %add3A_197 = arith.addi %mul3A_2, %mul3A_196 : i32
        %dma_start3A_198 = arith.constant 0 : i32
        %dma_start3A_199 = tpu.memref_slice %arg4[%add3A_197, %dma_start3A_198] : memref<16384x768xf32, #tpu.memory_space<hbm>> -> memref<16x768xf32, #tpu.memory_space<hbm>>
        %dma_start3A_200 = arith.constant 0 : i32
        %dma_start3A_201 = tpu.memref_slice %arg4[%add3A_197, %dma_start3A_200] : memref<16384x768xf32, #tpu.memory_space<hbm>> -> memref<16x768xf32, #tpu.memory_space<hbm>>
        tpu.enqueue_dma source(%arg7 : memref<16x768xf32, #tpu.memory_space<vmem>>) target(%dma_start3A_201 : memref<16x768xf32, #tpu.memory_space<hbm>>) target_semaphore(%arg23 : memref<!tpu.dma_semaphore, #tpu.memory_space<semaphore_mem>>)
        %add3A_202 = arith.constant 1 : i32
        %add3A_203 = arith.addi %add3A_45, %add3A_202 : i32
        %mul3A_204 = arith.constant 16 : i32
        %mul3A_205 = arith.muli %add3A_203, %mul3A_204 : i32
        %add3A_206 = arith.addi %mul3A_2, %mul3A_205 : i32
        %dma_wait3A_207 = arith.constant 0 : i32
        %dma_wait3A_208 = tpu.memref_slice %arg4[%add3A_206, %dma_wait3A_207] : memref<16384x768xf32, #tpu.memory_space<hbm>> -> memref<16x768xf32, #tpu.memory_space<hbm>>
        %dma_wait3A_209 = arith.constant 0 : i32
        %dma_wait3A_210 = tpu.memref_slice %arg4[%add3A_206, %dma_wait3A_209] : memref<16384x768xf32, #tpu.memory_space<hbm>> -> memref<16x768xf32, #tpu.memory_space<hbm>>
        tpu.wait_dma2 semaphore(%arg23 : memref<!tpu.dma_semaphore, #tpu.memory_space<semaphore_mem>>) src(%arg7 : memref<16x768xf32, #tpu.memory_space<vmem>>) dst(%dma_wait3A_210 : memref<16x768xf32, #tpu.memory_space<hbm>>)
      } else {
      }
      %add3A_67 = arith.constant 1 : i32
      %add3A_68 = arith.addi %add3A_45, %add3A_67 : i32
      %add3A_69 = arith.constant 8 : i32
      %add3A_70 = arith.addi %add3A_68, %add3A_69 : i32
      %sub3A_71 = arith.constant 1 : i32
      %sub3A_72 = arith.subi %add3A_70, %sub3A_71 : i32
      %lt3A_73 = arith.constant 32 : i32
      %lt3A_74 = arith.cmpi slt, %sub3A_72, %lt3A_73 : i32
      %convert_element_type3A_75 = arith.extui %lt3A_74 : i1 to i32
      %cond3A_76 = arith.constant 0 : i32
      %cond3A_77 = arith.cmpi ne, %convert_element_type3A_75, %cond3A_76 : i32
      scf.if %cond3A_77 {
        %add3A_186 = arith.constant 1 : i32
        %add3A_187 = arith.addi %add3A_45, %add3A_186 : i32
        %add3A_188 = arith.constant 8 : i32
        %add3A_189 = arith.addi %add3A_187, %add3A_188 : i32
        %sub3A_190 = arith.constant 1 : i32
        %sub3A_191 = arith.subi %add3A_189, %sub3A_190 : i32
        %mul3A_192 = arith.constant 16 : i32
        %mul3A_193 = arith.muli %sub3A_191, %mul3A_192 : i32
        %dma_start3A_194 = tpu.memref_slice %arg5[%mul3A_193] : memref<512xi32, #tpu.memory_space<vmem>> -> memref<16xi32, #tpu.memory_space<vmem>>
        %dma_start3A_195 = arith.constant 0 : i32
        %dma_start3A_196 = arith.constant 0 : i32
        %dma_start3A_197 = tpu.memref_slice %arg2[%dma_start3A_195, %dma_start3A_196] : memref<50368x768xf32, #tpu.memory_space<hbm>> -> memref<50368x768xf32, #tpu.memory_space<hbm>>
        tpu.enqueue_indirect_dma source(%dma_start3A_197 : memref<50368x768xf32, #tpu.memory_space<hbm>>) target(%arg6 : memref<16x768xf32, #tpu.memory_space<vmem>>) offsets(%dma_start3A_194 : memref<16xi32, #tpu.memory_space<vmem>>) semaphore(%arg14 : memref<!tpu.dma_semaphore, #tpu.memory_space<semaphore_mem>>)
      } else {
      }
      %add3A_78 = arith.constant 2 : i32
      %add3A_79 = arith.addi %add3A_45, %add3A_78 : i32
      %lt3A_80 = arith.constant 32 : i32
      %lt3A_81 = arith.cmpi slt, %add3A_79, %lt3A_80 : i32
      %convert_element_type3A_82 = arith.extui %lt3A_81 : i1 to i32
      %cond3A_83 = arith.constant 0 : i32
      %cond3A_84 = arith.cmpi ne, %convert_element_type3A_82, %cond3A_83 : i32
      scf.if %cond3A_84 {
        %add3A_186 = arith.constant 2 : i32
        %add3A_187 = arith.addi %add3A_45, %add3A_186 : i32
        %mul3A_188 = arith.constant 16 : i32
        %mul3A_189 = arith.muli %add3A_187, %mul3A_188 : i32
        %dma_wait3A = tpu.memref_slice %arg5[%mul3A_189] : memref<512xi32, #tpu.memory_space<vmem>> -> memref<16xi32, #tpu.memory_space<vmem>>
        %dma_wait3A_190 = arith.constant 0 : i32
        %dma_wait3A_191 = arith.constant 0 : i32
        %dma_wait3A_192 = tpu.memref_slice %arg2[%dma_wait3A_190, %dma_wait3A_191] : memref<50368x768xf32, #tpu.memory_space<hbm>> -> memref<50368x768xf32, #tpu.memory_space<hbm>>
        tpu.wait_indirect_dma semaphore(%arg16 : memref<!tpu.dma_semaphore, #tpu.memory_space<semaphore_mem>>) src(%dma_wait3A_192 : memref<50368x768xf32, #tpu.memory_space<hbm>>) dst(%arg8 : memref<16x768xf32, #tpu.memory_space<vmem>>)
        %add3A_193 = arith.constant 2 : i32
        %add3A_194 = arith.addi %add3A_45, %add3A_193 : i32
        %mul3A_195 = arith.constant 16 : i32
        %mul3A_196 = arith.muli %add3A_194, %mul3A_195 : i32
        %add3A_197 = arith.addi %mul3A_2, %mul3A_196 : i32
        %dma_start3A_198 = arith.constant 0 : i32
        %dma_start3A_199 = tpu.memref_slice %arg4[%add3A_197, %dma_start3A_198] : memref<16384x768xf32, #tpu.memory_space<hbm>> -> memref<16x768xf32, #tpu.memory_space<hbm>>
        %dma_start3A_200 = arith.constant 0 : i32
        %dma_start3A_201 = tpu.memref_slice %arg4[%add3A_197, %dma_start3A_200] : memref<16384x768xf32, #tpu.memory_space<hbm>> -> memref<16x768xf32, #tpu.memory_space<hbm>>
        tpu.enqueue_dma source(%arg8 : memref<16x768xf32, #tpu.memory_space<vmem>>) target(%dma_start3A_201 : memref<16x768xf32, #tpu.memory_space<hbm>>) target_semaphore(%arg24 : memref<!tpu.dma_semaphore, #tpu.memory_space<semaphore_mem>>)
        %add3A_202 = arith.constant 2 : i32
        %add3A_203 = arith.addi %add3A_45, %add3A_202 : i32
        %mul3A_204 = arith.constant 16 : i32
        %mul3A_205 = arith.muli %add3A_203, %mul3A_204 : i32
        %add3A_206 = arith.addi %mul3A_2, %mul3A_205 : i32
        %dma_wait3A_207 = arith.constant 0 : i32
        %dma_wait3A_208 = tpu.memref_slice %arg4[%add3A_206, %dma_wait3A_207] : memref<16384x768xf32, #tpu.memory_space<hbm>> -> memref<16x768xf32, #tpu.memory_space<hbm>>
        %dma_wait3A_209 = arith.constant 0 : i32
        %dma_wait3A_210 = tpu.memref_slice %arg4[%add3A_206, %dma_wait3A_209] : memref<16384x768xf32, #tpu.memory_space<hbm>> -> memref<16x768xf32, #tpu.memory_space<hbm>>
        tpu.wait_dma2 semaphore(%arg24 : memref<!tpu.dma_semaphore, #tpu.memory_space<semaphore_mem>>) src(%arg8 : memref<16x768xf32, #tpu.memory_space<vmem>>) dst(%dma_wait3A_210 : memref<16x768xf32, #tpu.memory_space<hbm>>)
      } else {
      }
      %add3A_85 = arith.constant 2 : i32
      %add3A_86 = arith.addi %add3A_45, %add3A_85 : i32
      %add3A_87 = arith.constant 8 : i32
      %add3A_88 = arith.addi %add3A_86, %add3A_87 : i32
      %sub3A_89 = arith.constant 1 : i32
      %sub3A_90 = arith.subi %add3A_88, %sub3A_89 : i32
      %lt3A_91 = arith.constant 32 : i32
      %lt3A_92 = arith.cmpi slt, %sub3A_90, %lt3A_91 : i32
      %convert_element_type3A_93 = arith.extui %lt3A_92 : i1 to i32
      %cond3A_94 = arith.constant 0 : i32
      %cond3A_95 = arith.cmpi ne, %convert_element_type3A_93, %cond3A_94 : i32
      scf.if %cond3A_95 {
        %add3A_186 = arith.constant 2 : i32
        %add3A_187 = arith.addi %add3A_45, %add3A_186 : i32
        %add3A_188 = arith.constant 8 : i32
        %add3A_189 = arith.addi %add3A_187, %add3A_188 : i32
        %sub3A_190 = arith.constant 1 : i32
        %sub3A_191 = arith.subi %add3A_189, %sub3A_190 : i32
        %mul3A_192 = arith.constant 16 : i32
        %mul3A_193 = arith.muli %sub3A_191, %mul3A_192 : i32
        %dma_start3A_194 = tpu.memref_slice %arg5[%mul3A_193] : memref<512xi32, #tpu.memory_space<vmem>> -> memref<16xi32, #tpu.memory_space<vmem>>
        %dma_start3A_195 = arith.constant 0 : i32
        %dma_start3A_196 = arith.constant 0 : i32
        %dma_start3A_197 = tpu.memref_slice %arg2[%dma_start3A_195, %dma_start3A_196] : memref<50368x768xf32, #tpu.memory_space<hbm>> -> memref<50368x768xf32, #tpu.memory_space<hbm>>
        tpu.enqueue_indirect_dma source(%dma_start3A_197 : memref<50368x768xf32, #tpu.memory_space<hbm>>) target(%arg7 : memref<16x768xf32, #tpu.memory_space<vmem>>) offsets(%dma_start3A_194 : memref<16xi32, #tpu.memory_space<vmem>>) semaphore(%arg15 : memref<!tpu.dma_semaphore, #tpu.memory_space<semaphore_mem>>)
      } else {
      }
      %add3A_96 = arith.constant 3 : i32
      %add3A_97 = arith.addi %add3A_45, %add3A_96 : i32
      %lt3A_98 = arith.constant 32 : i32
      %lt3A_99 = arith.cmpi slt, %add3A_97, %lt3A_98 : i32
      %convert_element_type3A_100 = arith.extui %lt3A_99 : i1 to i32
      %cond3A_101 = arith.constant 0 : i32
      %cond3A_102 = arith.cmpi ne, %convert_element_type3A_100, %cond3A_101 : i32
      scf.if %cond3A_102 {
        %add3A_186 = arith.constant 3 : i32
        %add3A_187 = arith.addi %add3A_45, %add3A_186 : i32
        %mul3A_188 = arith.constant 16 : i32
        %mul3A_189 = arith.muli %add3A_187, %mul3A_188 : i32
        %dma_wait3A = tpu.memref_slice %arg5[%mul3A_189] : memref<512xi32, #tpu.memory_space<vmem>> -> memref<16xi32, #tpu.memory_space<vmem>>
        %dma_wait3A_190 = arith.constant 0 : i32
        %dma_wait3A_191 = arith.constant 0 : i32
        %dma_wait3A_192 = tpu.memref_slice %arg2[%dma_wait3A_190, %dma_wait3A_191] : memref<50368x768xf32, #tpu.memory_space<hbm>> -> memref<50368x768xf32, #tpu.memory_space<hbm>>
        tpu.wait_indirect_dma semaphore(%arg17 : memref<!tpu.dma_semaphore, #tpu.memory_space<semaphore_mem>>) src(%dma_wait3A_192 : memref<50368x768xf32, #tpu.memory_space<hbm>>) dst(%arg9 : memref<16x768xf32, #tpu.memory_space<vmem>>)
        %add3A_193 = arith.constant 3 : i32
        %add3A_194 = arith.addi %add3A_45, %add3A_193 : i32
        %mul3A_195 = arith.constant 16 : i32
        %mul3A_196 = arith.muli %add3A_194, %mul3A_195 : i32
        %add3A_197 = arith.addi %mul3A_2, %mul3A_196 : i32
        %dma_start3A_198 = arith.constant 0 : i32
        %dma_start3A_199 = tpu.memref_slice %arg4[%add3A_197, %dma_start3A_198] : memref<16384x768xf32, #tpu.memory_space<hbm>> -> memref<16x768xf32, #tpu.memory_space<hbm>>
        %dma_start3A_200 = arith.constant 0 : i32
        %dma_start3A_201 = tpu.memref_slice %arg4[%add3A_197, %dma_start3A_200] : memref<16384x768xf32, #tpu.memory_space<hbm>> -> memref<16x768xf32, #tpu.memory_space<hbm>>
        tpu.enqueue_dma source(%arg9 : memref<16x768xf32, #tpu.memory_space<vmem>>) target(%dma_start3A_201 : memref<16x768xf32, #tpu.memory_space<hbm>>) target_semaphore(%arg25 : memref<!tpu.dma_semaphore, #tpu.memory_space<semaphore_mem>>)
        %add3A_202 = arith.constant 3 : i32
        %add3A_203 = arith.addi %add3A_45, %add3A_202 : i32
        %mul3A_204 = arith.constant 16 : i32
        %mul3A_205 = arith.muli %add3A_203, %mul3A_204 : i32
        %add3A_206 = arith.addi %mul3A_2, %mul3A_205 : i32
        %dma_wait3A_207 = arith.constant 0 : i32
        %dma_wait3A_208 = tpu.memref_slice %arg4[%add3A_206, %dma_wait3A_207] : memref<16384x768xf32, #tpu.memory_space<hbm>> -> memref<16x768xf32, #tpu.memory_space<hbm>>
        %dma_wait3A_209 = arith.constant 0 : i32
        %dma_wait3A_210 = tpu.memref_slice %arg4[%add3A_206, %dma_wait3A_209] : memref<16384x768xf32, #tpu.memory_space<hbm>> -> memref<16x768xf32, #tpu.memory_space<hbm>>
        tpu.wait_dma2 semaphore(%arg25 : memref<!tpu.dma_semaphore, #tpu.memory_space<semaphore_mem>>) src(%arg9 : memref<16x768xf32, #tpu.memory_space<vmem>>) dst(%dma_wait3A_210 : memref<16x768xf32, #tpu.memory_space<hbm>>)
      } else {
      }
      %add3A_103 = arith.constant 3 : i32
      %add3A_104 = arith.addi %add3A_45, %add3A_103 : i32
      %add3A_105 = arith.constant 8 : i32
      %add3A_106 = arith.addi %add3A_104, %add3A_105 : i32
      %sub3A_107 = arith.constant 1 : i32
      %sub3A_108 = arith.subi %add3A_106, %sub3A_107 : i32
      %lt3A_109 = arith.constant 32 : i32
      %lt3A_110 = arith.cmpi slt, %sub3A_108, %lt3A_109 : i32
      %convert_element_type3A_111 = arith.extui %lt3A_110 : i1 to i32
      %cond3A_112 = arith.constant 0 : i32
      %cond3A_113 = arith.cmpi ne, %convert_element_type3A_111, %cond3A_112 : i32
      scf.if %cond3A_113 {
        %add3A_186 = arith.constant 3 : i32
        %add3A_187 = arith.addi %add3A_45, %add3A_186 : i32
        %add3A_188 = arith.constant 8 : i32
        %add3A_189 = arith.addi %add3A_187, %add3A_188 : i32
        %sub3A_190 = arith.constant 1 : i32
        %sub3A_191 = arith.subi %add3A_189, %sub3A_190 : i32
        %mul3A_192 = arith.constant 16 : i32
        %mul3A_193 = arith.muli %sub3A_191, %mul3A_192 : i32
        %dma_start3A_194 = tpu.memref_slice %arg5[%mul3A_193] : memref<512xi32, #tpu.memory_space<vmem>> -> memref<16xi32, #tpu.memory_space<vmem>>
        %dma_start3A_195 = arith.constant 0 : i32
        %dma_start3A_196 = arith.constant 0 : i32
        %dma_start3A_197 = tpu.memref_slice %arg2[%dma_start3A_195, %dma_start3A_196] : memref<50368x768xf32, #tpu.memory_space<hbm>> -> memref<50368x768xf32, #tpu.memory_space<hbm>>
        tpu.enqueue_indirect_dma source(%dma_start3A_197 : memref<50368x768xf32, #tpu.memory_space<hbm>>) target(%arg8 : memref<16x768xf32, #tpu.memory_space<vmem>>) offsets(%dma_start3A_194 : memref<16xi32, #tpu.memory_space<vmem>>) semaphore(%arg16 : memref<!tpu.dma_semaphore, #tpu.memory_space<semaphore_mem>>)
      } else {
      }
      %add3A_114 = arith.constant 4 : i32
      %add3A_115 = arith.addi %add3A_45, %add3A_114 : i32
      %lt3A_116 = arith.constant 32 : i32
      %lt3A_117 = arith.cmpi slt, %add3A_115, %lt3A_116 : i32
      %convert_element_type3A_118 = arith.extui %lt3A_117 : i1 to i32
      %cond3A_119 = arith.constant 0 : i32
      %cond3A_120 = arith.cmpi ne, %convert_element_type3A_118, %cond3A_119 : i32
      scf.if %cond3A_120 {
        %add3A_186 = arith.constant 4 : i32
        %add3A_187 = arith.addi %add3A_45, %add3A_186 : i32
        %mul3A_188 = arith.constant 16 : i32
        %mul3A_189 = arith.muli %add3A_187, %mul3A_188 : i32
        %dma_wait3A = tpu.memref_slice %arg5[%mul3A_189] : memref<512xi32, #tpu.memory_space<vmem>> -> memref<16xi32, #tpu.memory_space<vmem>>
        %dma_wait3A_190 = arith.constant 0 : i32
        %dma_wait3A_191 = arith.constant 0 : i32
        %dma_wait3A_192 = tpu.memref_slice %arg2[%dma_wait3A_190, %dma_wait3A_191] : memref<50368x768xf32, #tpu.memory_space<hbm>> -> memref<50368x768xf32, #tpu.memory_space<hbm>>
        tpu.wait_indirect_dma semaphore(%arg18 : memref<!tpu.dma_semaphore, #tpu.memory_space<semaphore_mem>>) src(%dma_wait3A_192 : memref<50368x768xf32, #tpu.memory_space<hbm>>) dst(%arg10 : memref<16x768xf32, #tpu.memory_space<vmem>>)
        %add3A_193 = arith.constant 4 : i32
        %add3A_194 = arith.addi %add3A_45, %add3A_193 : i32
        %mul3A_195 = arith.constant 16 : i32
        %mul3A_196 = arith.muli %add3A_194, %mul3A_195 : i32
        %add3A_197 = arith.addi %mul3A_2, %mul3A_196 : i32
        %dma_start3A_198 = arith.constant 0 : i32
        %dma_start3A_199 = tpu.memref_slice %arg4[%add3A_197, %dma_start3A_198] : memref<16384x768xf32, #tpu.memory_space<hbm>> -> memref<16x768xf32, #tpu.memory_space<hbm>>
        %dma_start3A_200 = arith.constant 0 : i32
        %dma_start3A_201 = tpu.memref_slice %arg4[%add3A_197, %dma_start3A_200] : memref<16384x768xf32, #tpu.memory_space<hbm>> -> memref<16x768xf32, #tpu.memory_space<hbm>>
        tpu.enqueue_dma source(%arg10 : memref<16x768xf32, #tpu.memory_space<vmem>>) target(%dma_start3A_201 : memref<16x768xf32, #tpu.memory_space<hbm>>) target_semaphore(%arg26 : memref<!tpu.dma_semaphore, #tpu.memory_space<semaphore_mem>>)
        %add3A_202 = arith.constant 4 : i32
        %add3A_203 = arith.addi %add3A_45, %add3A_202 : i32
        %mul3A_204 = arith.constant 16 : i32
        %mul3A_205 = arith.muli %add3A_203, %mul3A_204 : i32
        %add3A_206 = arith.addi %mul3A_2, %mul3A_205 : i32
        %dma_wait3A_207 = arith.constant 0 : i32
        %dma_wait3A_208 = tpu.memref_slice %arg4[%add3A_206, %dma_wait3A_207] : memref<16384x768xf32, #tpu.memory_space<hbm>> -> memref<16x768xf32, #tpu.memory_space<hbm>>
        %dma_wait3A_209 = arith.constant 0 : i32
        %dma_wait3A_210 = tpu.memref_slice %arg4[%add3A_206, %dma_wait3A_209] : memref<16384x768xf32, #tpu.memory_space<hbm>> -> memref<16x768xf32, #tpu.memory_space<hbm>>
        tpu.wait_dma2 semaphore(%arg26 : memref<!tpu.dma_semaphore, #tpu.memory_space<semaphore_mem>>) src(%arg10 : memref<16x768xf32, #tpu.memory_space<vmem>>) dst(%dma_wait3A_210 : memref<16x768xf32, #tpu.memory_space<hbm>>)
      } else {
      }
      %add3A_121 = arith.constant 4 : i32
      %add3A_122 = arith.addi %add3A_45, %add3A_121 : i32
      %add3A_123 = arith.constant 8 : i32
      %add3A_124 = arith.addi %add3A_122, %add3A_123 : i32
      %sub3A_125 = arith.constant 1 : i32
      %sub3A_126 = arith.subi %add3A_124, %sub3A_125 : i32
      %lt3A_127 = arith.constant 32 : i32
      %lt3A_128 = arith.cmpi slt, %sub3A_126, %lt3A_127 : i32
      %convert_element_type3A_129 = arith.extui %lt3A_128 : i1 to i32
      %cond3A_130 = arith.constant 0 : i32
      %cond3A_131 = arith.cmpi ne, %convert_element_type3A_129, %cond3A_130 : i32
      scf.if %cond3A_131 {
        %add3A_186 = arith.constant 4 : i32
        %add3A_187 = arith.addi %add3A_45, %add3A_186 : i32
        %add3A_188 = arith.constant 8 : i32
        %add3A_189 = arith.addi %add3A_187, %add3A_188 : i32
        %sub3A_190 = arith.constant 1 : i32
        %sub3A_191 = arith.subi %add3A_189, %sub3A_190 : i32
        %mul3A_192 = arith.constant 16 : i32
        %mul3A_193 = arith.muli %sub3A_191, %mul3A_192 : i32
        %dma_start3A_194 = tpu.memref_slice %arg5[%mul3A_193] : memref<512xi32, #tpu.memory_space<vmem>> -> memref<16xi32, #tpu.memory_space<vmem>>
        %dma_start3A_195 = arith.constant 0 : i32
        %dma_start3A_196 = arith.constant 0 : i32
        %dma_start3A_197 = tpu.memref_slice %arg2[%dma_start3A_195, %dma_start3A_196] : memref<50368x768xf32, #tpu.memory_space<hbm>> -> memref<50368x768xf32, #tpu.memory_space<hbm>>
        tpu.enqueue_indirect_dma source(%dma_start3A_197 : memref<50368x768xf32, #tpu.memory_space<hbm>>) target(%arg9 : memref<16x768xf32, #tpu.memory_space<vmem>>) offsets(%dma_start3A_194 : memref<16xi32, #tpu.memory_space<vmem>>) semaphore(%arg17 : memref<!tpu.dma_semaphore, #tpu.memory_space<semaphore_mem>>)
      } else {
      }
      %add3A_132 = arith.constant 5 : i32
      %add3A_133 = arith.addi %add3A_45, %add3A_132 : i32
      %lt3A_134 = arith.constant 32 : i32
      %lt3A_135 = arith.cmpi slt, %add3A_133, %lt3A_134 : i32
      %convert_element_type3A_136 = arith.extui %lt3A_135 : i1 to i32
      %cond3A_137 = arith.constant 0 : i32
      %cond3A_138 = arith.cmpi ne, %convert_element_type3A_136, %cond3A_137 : i32
      scf.if %cond3A_138 {
        %add3A_186 = arith.constant 5 : i32
        %add3A_187 = arith.addi %add3A_45, %add3A_186 : i32
        %mul3A_188 = arith.constant 16 : i32
        %mul3A_189 = arith.muli %add3A_187, %mul3A_188 : i32
        %dma_wait3A = tpu.memref_slice %arg5[%mul3A_189] : memref<512xi32, #tpu.memory_space<vmem>> -> memref<16xi32, #tpu.memory_space<vmem>>
        %dma_wait3A_190 = arith.constant 0 : i32
        %dma_wait3A_191 = arith.constant 0 : i32
        %dma_wait3A_192 = tpu.memref_slice %arg2[%dma_wait3A_190, %dma_wait3A_191] : memref<50368x768xf32, #tpu.memory_space<hbm>> -> memref<50368x768xf32, #tpu.memory_space<hbm>>
        tpu.wait_indirect_dma semaphore(%arg19 : memref<!tpu.dma_semaphore, #tpu.memory_space<semaphore_mem>>) src(%dma_wait3A_192 : memref<50368x768xf32, #tpu.memory_space<hbm>>) dst(%arg11 : memref<16x768xf32, #tpu.memory_space<vmem>>)
        %add3A_193 = arith.constant 5 : i32
        %add3A_194 = arith.addi %add3A_45, %add3A_193 : i32
        %mul3A_195 = arith.constant 16 : i32
        %mul3A_196 = arith.muli %add3A_194, %mul3A_195 : i32
        %add3A_197 = arith.addi %mul3A_2, %mul3A_196 : i32
        %dma_start3A_198 = arith.constant 0 : i32
        %dma_start3A_199 = tpu.memref_slice %arg4[%add3A_197, %dma_start3A_198] : memref<16384x768xf32, #tpu.memory_space<hbm>> -> memref<16x768xf32, #tpu.memory_space<hbm>>
        %dma_start3A_200 = arith.constant 0 : i32
        %dma_start3A_201 = tpu.memref_slice %arg4[%add3A_197, %dma_start3A_200] : memref<16384x768xf32, #tpu.memory_space<hbm>> -> memref<16x768xf32, #tpu.memory_space<hbm>>
        tpu.enqueue_dma source(%arg11 : memref<16x768xf32, #tpu.memory_space<vmem>>) target(%dma_start3A_201 : memref<16x768xf32, #tpu.memory_space<hbm>>) target_semaphore(%arg27 : memref<!tpu.dma_semaphore, #tpu.memory_space<semaphore_mem>>)
        %add3A_202 = arith.constant 5 : i32
        %add3A_203 = arith.addi %add3A_45, %add3A_202 : i32
        %mul3A_204 = arith.constant 16 : i32
        %mul3A_205 = arith.muli %add3A_203, %mul3A_204 : i32
        %add3A_206 = arith.addi %mul3A_2, %mul3A_205 : i32
        %dma_wait3A_207 = arith.constant 0 : i32
        %dma_wait3A_208 = tpu.memref_slice %arg4[%add3A_206, %dma_wait3A_207] : memref<16384x768xf32, #tpu.memory_space<hbm>> -> memref<16x768xf32, #tpu.memory_space<hbm>>
        %dma_wait3A_209 = arith.constant 0 : i32
        %dma_wait3A_210 = tpu.memref_slice %arg4[%add3A_206, %dma_wait3A_209] : memref<16384x768xf32, #tpu.memory_space<hbm>> -> memref<16x768xf32, #tpu.memory_space<hbm>>
        tpu.wait_dma2 semaphore(%arg27 : memref<!tpu.dma_semaphore, #tpu.memory_space<semaphore_mem>>) src(%arg11 : memref<16x768xf32, #tpu.memory_space<vmem>>) dst(%dma_wait3A_210 : memref<16x768xf32, #tpu.memory_space<hbm>>)
      } else {
      }
      %add3A_139 = arith.constant 5 : i32
      %add3A_140 = arith.addi %add3A_45, %add3A_139 : i32
      %add3A_141 = arith.constant 8 : i32
      %add3A_142 = arith.addi %add3A_140, %add3A_141 : i32
      %sub3A_143 = arith.constant 1 : i32
      %sub3A_144 = arith.subi %add3A_142, %sub3A_143 : i32
      %lt3A_145 = arith.constant 32 : i32
      %lt3A_146 = arith.cmpi slt, %sub3A_144, %lt3A_145 : i32
      %convert_element_type3A_147 = arith.extui %lt3A_146 : i1 to i32
      %cond3A_148 = arith.constant 0 : i32
      %cond3A_149 = arith.cmpi ne, %convert_element_type3A_147, %cond3A_148 : i32
      scf.if %cond3A_149 {
        %add3A_186 = arith.constant 5 : i32
        %add3A_187 = arith.addi %add3A_45, %add3A_186 : i32
        %add3A_188 = arith.constant 8 : i32
        %add3A_189 = arith.addi %add3A_187, %add3A_188 : i32
        %sub3A_190 = arith.constant 1 : i32
        %sub3A_191 = arith.subi %add3A_189, %sub3A_190 : i32
        %mul3A_192 = arith.constant 16 : i32
        %mul3A_193 = arith.muli %sub3A_191, %mul3A_192 : i32
        %dma_start3A_194 = tpu.memref_slice %arg5[%mul3A_193] : memref<512xi32, #tpu.memory_space<vmem>> -> memref<16xi32, #tpu.memory_space<vmem>>
        %dma_start3A_195 = arith.constant 0 : i32
        %dma_start3A_196 = arith.constant 0 : i32
        %dma_start3A_197 = tpu.memref_slice %arg2[%dma_start3A_195, %dma_start3A_196] : memref<50368x768xf32, #tpu.memory_space<hbm>> -> memref<50368x768xf32, #tpu.memory_space<hbm>>
        tpu.enqueue_indirect_dma source(%dma_start3A_197 : memref<50368x768xf32, #tpu.memory_space<hbm>>) target(%arg10 : memref<16x768xf32, #tpu.memory_space<vmem>>) offsets(%dma_start3A_194 : memref<16xi32, #tpu.memory_space<vmem>>) semaphore(%arg18 : memref<!tpu.dma_semaphore, #tpu.memory_space<semaphore_mem>>)
      } else {
      }
      %add3A_150 = arith.constant 6 : i32
      %add3A_151 = arith.addi %add3A_45, %add3A_150 : i32
      %lt3A_152 = arith.constant 32 : i32
      %lt3A_153 = arith.cmpi slt, %add3A_151, %lt3A_152 : i32
      %convert_element_type3A_154 = arith.extui %lt3A_153 : i1 to i32
      %cond3A_155 = arith.constant 0 : i32
      %cond3A_156 = arith.cmpi ne, %convert_element_type3A_154, %cond3A_155 : i32
      scf.if %cond3A_156 {
        %add3A_186 = arith.constant 6 : i32
        %add3A_187 = arith.addi %add3A_45, %add3A_186 : i32
        %mul3A_188 = arith.constant 16 : i32
        %mul3A_189 = arith.muli %add3A_187, %mul3A_188 : i32
        %dma_wait3A = tpu.memref_slice %arg5[%mul3A_189] : memref<512xi32, #tpu.memory_space<vmem>> -> memref<16xi32, #tpu.memory_space<vmem>>
        %dma_wait3A_190 = arith.constant 0 : i32
        %dma_wait3A_191 = arith.constant 0 : i32
        %dma_wait3A_192 = tpu.memref_slice %arg2[%dma_wait3A_190, %dma_wait3A_191] : memref<50368x768xf32, #tpu.memory_space<hbm>> -> memref<50368x768xf32, #tpu.memory_space<hbm>>
        tpu.wait_indirect_dma semaphore(%arg20 : memref<!tpu.dma_semaphore, #tpu.memory_space<semaphore_mem>>) src(%dma_wait3A_192 : memref<50368x768xf32, #tpu.memory_space<hbm>>) dst(%arg12 : memref<16x768xf32, #tpu.memory_space<vmem>>)
        %add3A_193 = arith.constant 6 : i32
        %add3A_194 = arith.addi %add3A_45, %add3A_193 : i32
        %mul3A_195 = arith.constant 16 : i32
        %mul3A_196 = arith.muli %add3A_194, %mul3A_195 : i32
        %add3A_197 = arith.addi %mul3A_2, %mul3A_196 : i32
        %dma_start3A_198 = arith.constant 0 : i32
        %dma_start3A_199 = tpu.memref_slice %arg4[%add3A_197, %dma_start3A_198] : memref<16384x768xf32, #tpu.memory_space<hbm>> -> memref<16x768xf32, #tpu.memory_space<hbm>>
        %dma_start3A_200 = arith.constant 0 : i32
        %dma_start3A_201 = tpu.memref_slice %arg4[%add3A_197, %dma_start3A_200] : memref<16384x768xf32, #tpu.memory_space<hbm>> -> memref<16x768xf32, #tpu.memory_space<hbm>>
        tpu.enqueue_dma source(%arg12 : memref<16x768xf32, #tpu.memory_space<vmem>>) target(%dma_start3A_201 : memref<16x768xf32, #tpu.memory_space<hbm>>) target_semaphore(%arg28 : memref<!tpu.dma_semaphore, #tpu.memory_space<semaphore_mem>>)
        %add3A_202 = arith.constant 6 : i32
        %add3A_203 = arith.addi %add3A_45, %add3A_202 : i32
        %mul3A_204 = arith.constant 16 : i32
        %mul3A_205 = arith.muli %add3A_203, %mul3A_204 : i32
        %add3A_206 = arith.addi %mul3A_2, %mul3A_205 : i32
        %dma_wait3A_207 = arith.constant 0 : i32
        %dma_wait3A_208 = tpu.memref_slice %arg4[%add3A_206, %dma_wait3A_207] : memref<16384x768xf32, #tpu.memory_space<hbm>> -> memref<16x768xf32, #tpu.memory_space<hbm>>
        %dma_wait3A_209 = arith.constant 0 : i32
        %dma_wait3A_210 = tpu.memref_slice %arg4[%add3A_206, %dma_wait3A_209] : memref<16384x768xf32, #tpu.memory_space<hbm>> -> memref<16x768xf32, #tpu.memory_space<hbm>>
        tpu.wait_dma2 semaphore(%arg28 : memref<!tpu.dma_semaphore, #tpu.memory_space<semaphore_mem>>) src(%arg12 : memref<16x768xf32, #tpu.memory_space<vmem>>) dst(%dma_wait3A_210 : memref<16x768xf32, #tpu.memory_space<hbm>>)
      } else {
      }
      %add3A_157 = arith.constant 6 : i32
      %add3A_158 = arith.addi %add3A_45, %add3A_157 : i32
      %add3A_159 = arith.constant 8 : i32
      %add3A_160 = arith.addi %add3A_158, %add3A_159 : i32
      %sub3A_161 = arith.constant 1 : i32
      %sub3A_162 = arith.subi %add3A_160, %sub3A_161 : i32
      %lt3A_163 = arith.constant 32 : i32
      %lt3A_164 = arith.cmpi slt, %sub3A_162, %lt3A_163 : i32
      %convert_element_type3A_165 = arith.extui %lt3A_164 : i1 to i32
      %cond3A_166 = arith.constant 0 : i32
      %cond3A_167 = arith.cmpi ne, %convert_element_type3A_165, %cond3A_166 : i32
      scf.if %cond3A_167 {
        %add3A_186 = arith.constant 6 : i32
        %add3A_187 = arith.addi %add3A_45, %add3A_186 : i32
        %add3A_188 = arith.constant 8 : i32
        %add3A_189 = arith.addi %add3A_187, %add3A_188 : i32
        %sub3A_190 = arith.constant 1 : i32
        %sub3A_191 = arith.subi %add3A_189, %sub3A_190 : i32
        %mul3A_192 = arith.constant 16 : i32
        %mul3A_193 = arith.muli %sub3A_191, %mul3A_192 : i32
        %dma_start3A_194 = tpu.memref_slice %arg5[%mul3A_193] : memref<512xi32, #tpu.memory_space<vmem>> -> memref<16xi32, #tpu.memory_space<vmem>>
        %dma_start3A_195 = arith.constant 0 : i32
        %dma_start3A_196 = arith.constant 0 : i32
        %dma_start3A_197 = tpu.memref_slice %arg2[%dma_start3A_195, %dma_start3A_196] : memref<50368x768xf32, #tpu.memory_space<hbm>> -> memref<50368x768xf32, #tpu.memory_space<hbm>>
        tpu.enqueue_indirect_dma source(%dma_start3A_197 : memref<50368x768xf32, #tpu.memory_space<hbm>>) target(%arg11 : memref<16x768xf32, #tpu.memory_space<vmem>>) offsets(%dma_start3A_194 : memref<16xi32, #tpu.memory_space<vmem>>) semaphore(%arg19 : memref<!tpu.dma_semaphore, #tpu.memory_space<semaphore_mem>>)
      } else {
      }
      %add3A_168 = arith.constant 7 : i32
      %add3A_169 = arith.addi %add3A_45, %add3A_168 : i32
      %lt3A_170 = arith.constant 32 : i32
      %lt3A_171 = arith.cmpi slt, %add3A_169, %lt3A_170 : i32
      %convert_element_type3A_172 = arith.extui %lt3A_171 : i1 to i32
      %cond3A_173 = arith.constant 0 : i32
      %cond3A_174 = arith.cmpi ne, %convert_element_type3A_172, %cond3A_173 : i32
      scf.if %cond3A_174 {
        %add3A_186 = arith.constant 7 : i32
        %add3A_187 = arith.addi %add3A_45, %add3A_186 : i32
        %mul3A_188 = arith.constant 16 : i32
        %mul3A_189 = arith.muli %add3A_187, %mul3A_188 : i32
        %dma_wait3A = tpu.memref_slice %arg5[%mul3A_189] : memref<512xi32, #tpu.memory_space<vmem>> -> memref<16xi32, #tpu.memory_space<vmem>>
        %dma_wait3A_190 = arith.constant 0 : i32
        %dma_wait3A_191 = arith.constant 0 : i32
        %dma_wait3A_192 = tpu.memref_slice %arg2[%dma_wait3A_190, %dma_wait3A_191] : memref<50368x768xf32, #tpu.memory_space<hbm>> -> memref<50368x768xf32, #tpu.memory_space<hbm>>
        tpu.wait_indirect_dma semaphore(%arg21 : memref<!tpu.dma_semaphore, #tpu.memory_space<semaphore_mem>>) src(%dma_wait3A_192 : memref<50368x768xf32, #tpu.memory_space<hbm>>) dst(%arg13 : memref<16x768xf32, #tpu.memory_space<vmem>>)
        %add3A_193 = arith.constant 7 : i32
        %add3A_194 = arith.addi %add3A_45, %add3A_193 : i32
        %mul3A_195 = arith.constant 16 : i32
        %mul3A_196 = arith.muli %add3A_194, %mul3A_195 : i32
        %add3A_197 = arith.addi %mul3A_2, %mul3A_196 : i32
        %dma_start3A_198 = arith.constant 0 : i32
        %dma_start3A_199 = tpu.memref_slice %arg4[%add3A_197, %dma_start3A_198] : memref<16384x768xf32, #tpu.memory_space<hbm>> -> memref<16x768xf32, #tpu.memory_space<hbm>>
        %dma_start3A_200 = arith.constant 0 : i32
        %dma_start3A_201 = tpu.memref_slice %arg4[%add3A_197, %dma_start3A_200] : memref<16384x768xf32, #tpu.memory_space<hbm>> -> memref<16x768xf32, #tpu.memory_space<hbm>>
        tpu.enqueue_dma source(%arg13 : memref<16x768xf32, #tpu.memory_space<vmem>>) target(%dma_start3A_201 : memref<16x768xf32, #tpu.memory_space<hbm>>) target_semaphore(%arg29 : memref<!tpu.dma_semaphore, #tpu.memory_space<semaphore_mem>>)
        %add3A_202 = arith.constant 7 : i32
        %add3A_203 = arith.addi %add3A_45, %add3A_202 : i32
        %mul3A_204 = arith.constant 16 : i32
        %mul3A_205 = arith.muli %add3A_203, %mul3A_204 : i32
        %add3A_206 = arith.addi %mul3A_2, %mul3A_205 : i32
        %dma_wait3A_207 = arith.constant 0 : i32
        %dma_wait3A_208 = tpu.memref_slice %arg4[%add3A_206, %dma_wait3A_207] : memref<16384x768xf32, #tpu.memory_space<hbm>> -> memref<16x768xf32, #tpu.memory_space<hbm>>
        %dma_wait3A_209 = arith.constant 0 : i32
        %dma_wait3A_210 = tpu.memref_slice %arg4[%add3A_206, %dma_wait3A_209] : memref<16384x768xf32, #tpu.memory_space<hbm>> -> memref<16x768xf32, #tpu.memory_space<hbm>>
        tpu.wait_dma2 semaphore(%arg29 : memref<!tpu.dma_semaphore, #tpu.memory_space<semaphore_mem>>) src(%arg13 : memref<16x768xf32, #tpu.memory_space<vmem>>) dst(%dma_wait3A_210 : memref<16x768xf32, #tpu.memory_space<hbm>>)
      } else {
      }
      %add3A_175 = arith.constant 7 : i32
      %add3A_176 = arith.addi %add3A_45, %add3A_175 : i32
      %add3A_177 = arith.constant 8 : i32
      %add3A_178 = arith.addi %add3A_176, %add3A_177 : i32
      %sub3A_179 = arith.constant 1 : i32
      %sub3A_180 = arith.subi %add3A_178, %sub3A_179 : i32
      %lt3A_181 = arith.constant 32 : i32
      %lt3A_182 = arith.cmpi slt, %sub3A_180, %lt3A_181 : i32
      %convert_element_type3A_183 = arith.extui %lt3A_182 : i1 to i32
      %cond3A_184 = arith.constant 0 : i32
      %cond3A_185 = arith.cmpi ne, %convert_element_type3A_183, %cond3A_184 : i32
      scf.if %cond3A_185 {
        %add3A_186 = arith.constant 7 : i32
        %add3A_187 = arith.addi %add3A_45, %add3A_186 : i32
        %add3A_188 = arith.constant 8 : i32
        %add3A_189 = arith.addi %add3A_187, %add3A_188 : i32
        %sub3A_190 = arith.constant 1 : i32
        %sub3A_191 = arith.subi %add3A_189, %sub3A_190 : i32
        %mul3A_192 = arith.constant 16 : i32
        %mul3A_193 = arith.muli %sub3A_191, %mul3A_192 : i32
        %dma_start3A_194 = tpu.memref_slice %arg5[%mul3A_193] : memref<512xi32, #tpu.memory_space<vmem>> -> memref<16xi32, #tpu.memory_space<vmem>>
        %dma_start3A_195 = arith.constant 0 : i32
        %dma_start3A_196 = arith.constant 0 : i32
        %dma_start3A_197 = tpu.memref_slice %arg2[%dma_start3A_195, %dma_start3A_196] : memref<50368x768xf32, #tpu.memory_space<hbm>> -> memref<50368x768xf32, #tpu.memory_space<hbm>>
        tpu.enqueue_indirect_dma source(%dma_start3A_197 : memref<50368x768xf32, #tpu.memory_space<hbm>>) target(%arg12 : memref<16x768xf32, #tpu.memory_space<vmem>>) offsets(%dma_start3A_194 : memref<16xi32, #tpu.memory_space<vmem>>) semaphore(%arg20 : memref<!tpu.dma_semaphore, #tpu.memory_space<semaphore_mem>>)
      } else {
      }
    }
    %scan3A_40 = arith.constant 4 : i32
    return
  }
}

module attributes {stable_mosaic.version = 14 : i64} {
  func.func @body(%arg0: i32, %arg1: memref<2048x768xf32, #tpu.memory_space<vmem>>, %arg2: memref<2048x1xf32, #tpu.memory_space<vmem>>, %arg3: memref<1x768xf32, #tpu.memory_space<vmem>>, %arg4: memref<1x768xf32, #tpu.memory_space<vmem>>, %arg5: memref<2048x768xf32, #tpu.memory_space<vmem>>) attributes {dimension_semantics = [#tpu.dimension_semantics<arbitrary>], iteration_bounds = array<i64: 8>, scalar_prefetch = 0 : i64, scratch_operands = 0 : i64, tpu.core_type = #tpu.core_type<tc>, window_params = [{transform_indices = @transform_0, window_bounds = array<i64: 2048, 768>}, {transform_indices = @transform_1, window_bounds = array<i64: 2048, 1>}, {pipeline_mode = #tpu.pipeline_mode<synchronous>, transform_indices = @transform_2, window_bounds = array<i64: 1, 768>}, {pipeline_mode = #tpu.pipeline_mode<synchronous>, transform_indices = @transform_3, window_bounds = array<i64: 1, 768>}, {transform_indices = @transform_4, window_bounds = array<i64: 2048, 768>}]} {
    %get3A = arith.constant 0 : index
    %get3A_0 = arith.constant 0 : index
    %get3A_1 = vector.load %arg1[%get3A, %get3A_0] : memref<2048x768xf32, #tpu.memory_space<vmem>>, vector<2048x768xf32>
    %reduce_sum3A = arith.constant dense<0.000000e+00> : vector<2048xf32>
    %reduce_sum3A_2 = vector.multi_reduction <add>, %get3A_1, %reduce_sum3A [1] : vector<2048x768xf32> to vector<2048xf32>
    %broadcast_in_dim3A = vector.shape_cast %reduce_sum3A_2 : vector<2048xf32> to vector<2048x1xf32>
    %mul3A = arith.constant 0.00130208337 : f32
    %mul3A_3 = vector.broadcast %mul3A : f32 to vector<2048x1xf32>
    %mul3A_4 = arith.mulf %broadcast_in_dim3A, %mul3A_3 : vector<2048x1xf32>
    %mul3A_5 = arith.mulf %get3A_1, %get3A_1 : vector<2048x768xf32>
    %reduce_sum3A_6 = arith.constant dense<0.000000e+00> : vector<2048xf32>
    %reduce_sum3A_7 = vector.multi_reduction <add>, %mul3A_5, %reduce_sum3A_6 [1] : vector<2048x768xf32> to vector<2048xf32>
    %broadcast_in_dim3A_8 = vector.shape_cast %reduce_sum3A_7 : vector<2048xf32> to vector<2048x1xf32>
    %mul3A_9 = arith.constant 0.00130208337 : f32
    %mul3A_10 = vector.broadcast %mul3A_9 : f32 to vector<2048x1xf32>
    %mul3A_11 = arith.mulf %broadcast_in_dim3A_8, %mul3A_10 : vector<2048x1xf32>
    %mul3A_12 = arith.mulf %mul3A_4, %mul3A_4 : vector<2048x1xf32>
    %sub3A = arith.subf %mul3A_11, %mul3A_12 : vector<2048x1xf32>
    %add3A = arith.constant 9.99999974E-6 : f32
    %add3A_13 = vector.broadcast %add3A : f32 to vector<2048x1xf32>
    %add3A_14 = arith.addf %sub3A, %add3A_13 : vector<2048x1xf32>
    %rsqrt3A = math.rsqrt %add3A_14 : vector<2048x1xf32>
    %get3A_15 = arith.constant 0 : index
    %get3A_16 = arith.constant 0 : index
    %get3A_17 = vector.load %arg2[%get3A_15, %get3A_16] : memref<2048x1xf32, #tpu.memory_space<vmem>>, vector<2048x1xf32>
    %mul3A_18 = arith.mulf %rsqrt3A, %get3A_17 : vector<2048x1xf32>
    %sub3A_19 = vector.broadcast %mul3A_4 : vector<2048x1xf32> to vector<2048x768xf32>
    %sub3A_20 = arith.subf %get3A_1, %sub3A_19 : vector<2048x768xf32>
    %mul3A_21 = vector.broadcast %mul3A_18 : vector<2048x1xf32> to vector<2048x768xf32>
    %mul3A_22 = arith.mulf %sub3A_20, %mul3A_21 : vector<2048x768xf32>
    %get3A_23 = arith.constant 0 : index
    %get3A_24 = arith.constant 0 : index
    %get3A_25 = vector.load %arg3[%get3A_23, %get3A_24] : memref<1x768xf32, #tpu.memory_space<vmem>>, vector<1x768xf32>
    %mul3A_26 = vector.broadcast %get3A_25 : vector<1x768xf32> to vector<2048x768xf32>
    %mul3A_27 = arith.mulf %mul3A_22, %mul3A_26 : vector<2048x768xf32>
    %get3A_28 = arith.constant 0 : index
    %get3A_29 = arith.constant 0 : index
    %get3A_30 = vector.load %arg4[%get3A_28, %get3A_29] : memref<1x768xf32, #tpu.memory_space<vmem>>, vector<1x768xf32>
    %add3A_31 = vector.broadcast %get3A_30 : vector<1x768xf32> to vector<2048x768xf32>
    %add3A_32 = arith.addf %mul3A_27, %add3A_31 : vector<2048x768xf32>
    %swap3A = arith.constant 0 : index
    %swap3A_33 = arith.constant 0 : index
    %swap3A_34 = vector.load %arg5[%swap3A, %swap3A_33] : memref<2048x768xf32, #tpu.memory_space<vmem>>, vector<2048x768xf32>
    tpu.vector_store %arg5[%swap3A, %swap3A_33], %add3A_32 {strides = array<i32>} : memref<2048x768xf32, #tpu.memory_space<vmem>>, vector<2048x768xf32>,
    return
  }
  func.func @transform_0(%arg0: i32) -> (i32, i32) {
    %c0_i32 = arith.constant 0 : i32
    %c0_i32_0 = arith.constant 0 : i32
    return %arg0, %c0_i32 : i32, i32
  }
  func.func @transform_1(%arg0: i32) -> (i32, i32) {
    %c0_i32 = arith.constant 0 : i32
    %c0_i32_0 = arith.constant 0 : i32
    return %arg0, %c0_i32 : i32, i32
  }
  func.func @transform_2(%arg0: i32) -> (i32, i32) {
    %c0_i32 = arith.constant 0 : i32
    %c0_i32_0 = arith.constant 0 : i32
    %c0_i32_1 = arith.constant 0 : i32
    return %c0_i32, %c0_i32_0 : i32, i32
  }
  func.func @transform_3(%arg0: i32) -> (i32, i32) {
    %c0_i32 = arith.constant 0 : i32
    %c0_i32_0 = arith.constant 0 : i32
    %c0_i32_1 = arith.constant 0 : i32
    return %c0_i32, %c0_i32_0 : i32, i32
  }
  func.func @transform_4(%arg0: i32) -> (i32, i32) {
    %add3A = arith.constant 0 : i32
    %add3A_0 = arith.addi %add3A, %arg0 : i32
    %c0_i32 = arith.constant 0 : i32
    %c0_i32_1 = arith.constant 0 : i32
    return %add3A_0, %c0_i32 : i32, i32
  }
}

module attributes {stable_mosaic.version = 14 : i64} {
  func.func @body(%arg0: i32, %arg1: memref<2048x768xf32, #tpu.memory_space<vmem>>, %arg2: memref<2048x1xf32, #tpu.memory_space<vmem>>, %arg3: memref<1x768xf32, #tpu.memory_space<vmem>>, %arg4: memref<1x768xf32, #tpu.memory_space<vmem>>, %arg5: memref<32768x768xf32, #tpu.memory_space<any>>, %arg6: memref<2048x768xf32, #tpu.memory_space<vmem>>) attributes {dimension_semantics = [#tpu.dimension_semantics<arbitrary>], iteration_bounds = array<i64: 8>, scalar_prefetch = 0 : i64, scratch_operands = 0 : i64, tpu.core_type = #tpu.core_type<tc>, window_params = [{transform_indices = @transform_0, window_bounds = array<i64: 2048, 768>}, {transform_indices = @transform_1, window_bounds = array<i64: 2048, 1>}, {pipeline_mode = #tpu.pipeline_mode<synchronous>, transform_indices = @transform_2, window_bounds = array<i64: 1, 768>}, {pipeline_mode = #tpu.pipeline_mode<synchronous>, transform_indices = @transform_3, window_bounds = array<i64: 1, 768>}, {}, {transform_indices = @transform_5, window_bounds = array<i64: 2048, 768>}]} {
    %get3A = arith.constant 0 : index
    %get3A_0 = arith.constant 0 : index
    %get3A_1 = vector.load %arg1[%get3A, %get3A_0] : memref<2048x768xf32, #tpu.memory_space<vmem>>, vector<2048x768xf32>
    %reduce_sum3A = arith.constant dense<0.000000e+00> : vector<2048xf32>
    %reduce_sum3A_2 = vector.multi_reduction <add>, %get3A_1, %reduce_sum3A [1] : vector<2048x768xf32> to vector<2048xf32>
    %broadcast_in_dim3A = vector.shape_cast %reduce_sum3A_2 : vector<2048xf32> to vector<2048x1xf32>
    %mul3A = arith.constant 0.00130208337 : f32
    %mul3A_3 = vector.broadcast %mul3A : f32 to vector<2048x1xf32>
    %mul3A_4 = arith.mulf %broadcast_in_dim3A, %mul3A_3 : vector<2048x1xf32>
    %mul3A_5 = arith.mulf %get3A_1, %get3A_1 : vector<2048x768xf32>
    %reduce_sum3A_6 = arith.constant dense<0.000000e+00> : vector<2048xf32>
    %reduce_sum3A_7 = vector.multi_reduction <add>, %mul3A_5, %reduce_sum3A_6 [1] : vector<2048x768xf32> to vector<2048xf32>
    %broadcast_in_dim3A_8 = vector.shape_cast %reduce_sum3A_7 : vector<2048xf32> to vector<2048x1xf32>
    %mul3A_9 = arith.constant 0.00130208337 : f32
    %mul3A_10 = vector.broadcast %mul3A_9 : f32 to vector<2048x1xf32>
    %mul3A_11 = arith.mulf %broadcast_in_dim3A_8, %mul3A_10 : vector<2048x1xf32>
    %mul3A_12 = arith.mulf %mul3A_4, %mul3A_4 : vector<2048x1xf32>
    %sub3A = arith.subf %mul3A_11, %mul3A_12 : vector<2048x1xf32>
    %add3A = arith.constant 9.99999974E-6 : f32
    %add3A_13 = vector.broadcast %add3A : f32 to vector<2048x1xf32>
    %add3A_14 = arith.addf %sub3A, %add3A_13 : vector<2048x1xf32>
    %rsqrt3A = math.rsqrt %add3A_14 : vector<2048x1xf32>
    %get3A_15 = arith.constant 0 : index
    %get3A_16 = arith.constant 0 : index
    %get3A_17 = vector.load %arg2[%get3A_15, %get3A_16] : memref<2048x1xf32, #tpu.memory_space<vmem>>, vector<2048x1xf32>
    %mul3A_18 = arith.mulf %rsqrt3A, %get3A_17 : vector<2048x1xf32>
    %sub3A_19 = vector.broadcast %mul3A_4 : vector<2048x1xf32> to vector<2048x768xf32>
    %sub3A_20 = arith.subf %get3A_1, %sub3A_19 : vector<2048x768xf32>
    %mul3A_21 = vector.broadcast %mul3A_18 : vector<2048x1xf32> to vector<2048x768xf32>
    %mul3A_22 = arith.mulf %sub3A_20, %mul3A_21 : vector<2048x768xf32>
    %get3A_23 = arith.constant 0 : index
    %get3A_24 = arith.constant 0 : index
    %get3A_25 = vector.load %arg3[%get3A_23, %get3A_24] : memref<1x768xf32, #tpu.memory_space<vmem>>, vector<1x768xf32>
    %mul3A_26 = vector.broadcast %get3A_25 : vector<1x768xf32> to vector<2048x768xf32>
    %mul3A_27 = arith.mulf %mul3A_22, %mul3A_26 : vector<2048x768xf32>
    %get3A_28 = arith.constant 0 : index
    %get3A_29 = arith.constant 0 : index
    %get3A_30 = vector.load %arg4[%get3A_28, %get3A_29] : memref<1x768xf32, #tpu.memory_space<vmem>>, vector<1x768xf32>
    %add3A_31 = vector.broadcast %get3A_30 : vector<1x768xf32> to vector<2048x768xf32>
    %add3A_32 = arith.addf %mul3A_27, %add3A_31 : vector<2048x768xf32>
    %swap3A = arith.constant 0 : index
    %swap3A_33 = arith.constant 0 : index
    %swap3A_34 = vector.load %arg6[%swap3A, %swap3A_33] : memref<2048x768xf32, #tpu.memory_space<vmem>>, vector<2048x768xf32>
    tpu.vector_store %arg6[%swap3A, %swap3A_33], %add3A_32 {strides = array<i32>} : memref<2048x768xf32, #tpu.memory_space<vmem>>, vector<2048x768xf32>,
    return
  }
  func.func @transform_0(%arg0: i32) -> (i32, i32) {
    %c0_i32 = arith.constant 0 : i32
    %c0_i32_0 = arith.constant 0 : i32
    return %arg0, %c0_i32 : i32, i32
  }
  func.func @transform_1(%arg0: i32) -> (i32, i32) {
    %c0_i32 = arith.constant 0 : i32
    %c0_i32_0 = arith.constant 0 : i32
    return %arg0, %c0_i32 : i32, i32
  }
  func.func @transform_2(%arg0: i32) -> (i32, i32) {
    %c0_i32 = arith.constant 0 : i32
    %c0_i32_0 = arith.constant 0 : i32
    %c0_i32_1 = arith.constant 0 : i32
    return %c0_i32, %c0_i32_0 : i32, i32
  }
  func.func @transform_3(%arg0: i32) -> (i32, i32) {
    %c0_i32 = arith.constant 0 : i32
    %c0_i32_0 = arith.constant 0 : i32
    %c0_i32_1 = arith.constant 0 : i32
    return %c0_i32, %c0_i32_0 : i32, i32
  }
  func.func @transform_5(%arg0: i32) -> (i32, i32) {
    %add3A = arith.constant 8 : i32
    %add3A_0 = arith.addi %add3A, %arg0 : i32
    %c0_i32 = arith.constant 0 : i32
    %c0_i32_1 = arith.constant 0 : i32
    return %add3A_0, %c0_i32 : i32, i32
  }
}

</mosaic_0001>

<sc_bundles>
// kernel: kernel.6.cloned.1.call-start
scs
__scs_entry_jumppad:
0x0: {  	(pc) =	sbr.rel $0x88, $3  }
0x1: {  	(tag) =	ssettag $0x0;
	lr =	simm.s32 $0x1  }
0x2: {  	[smem:$0x3F9D] =	sst lr;
	_ =	strace $0xD0000000  }
0x3: {  	_ = 	snop  }
0x4: {  	_ = 	snop  }
0x5: {  	_ = 	snop  }
0x6: {  	_ = 	snop  }
0x7: {  	_ = 	snop  }
__scs_overlays_trampoline_lowered:
0x8: {  	[smem:$0x3FAC] =	sst s0  }
0x9: {  	[smem:$0x3FAD] =	sst s1  }
0xa: {  	[smem:$0x3FAE] =	sst s2  }
0xb: {  	[smem:$0x3FAF] =	sst s3  }
0xc: {  	[smem:$0x3FB0] =	sst s4  }
0xd: {  	[smem:$0x3FB1] =	sst s5  }
0xe: {  	[smem:$0x3FB2] =	sst s6  }
0xf: {  	[smem:$0x3FB3] =	sst s7  }
0x10: {  	[smem:$0x3FB4] =	sst s8  }
0x11: {  	[smem:$0x3FB5] =	sst s9;
	s0 =	simm.s32 @!p0 $0x0  }
0x12: {  	s1 =	sld [smem:$0x3F9B];
	s0 =	simm.s32 @p0 $0x1  }
0x13: {  	[smem:$0x3FB6] =	sst s0;
	s0 =	simm.s32 @!p1 $0x0  }
0x14: {  	s2 =	sld [smem:$0x3F9A];
	s0 =	simm.s32 @p1 $0x1  }
0x15: {  	[smem:$0x3FB7] =	sst s0;
	s0 =	simm.s32 @!p2 $0x0  }
0x16: {  	s3 =	sld [smem:$0x3FDB];
	s0 =	simm.s32 @p2 $0x1  }
0x17: {  	s4 =	simm.s32 $0x1BF5;
	[smem:$0x3FB9] =	sst s0  }
0x18: {  	s0 =	sld [smem:$0x3F9C];
	_ =	swait.ge [sflag:s4], $0x0  }
0x19: {  	s7 =	sld [smem:$0x3F9D]  }
0x1a: {  	s8 =	sadd.s32 $0xFFFFE003, lr  }
0x1b: {  	s9 =	sadd.s32 $0xFFFFFEF7, lr;
	s5 =	simm.s32 $0xFFFFFFFF;
	p2 =	slt.u32 s8, $0xFFFFF086  }
0x1c: {  	p1 =	slt.u32 s9, $0xF7A;
	s5 =	simm.s32 @!p2 $0x0  }
0x1d: {  	s5 =	simm.s32 @p1 $0x1;
	p0 =	seq.s32 s7, s2  }
0x1e: {  	s7 =	smul.u32 @!p0 $0xF7A, s2;
	p2 =	seq.s32 @!p0 s5, $0x0  }
0x1f: {  	s9 =	smul.u32 $0xF7A, s1;
	s8 =	simm.s32 @!p0 $0x1BF5;
	p2 =	por !p2, p0  }
0x20: {  	[sflag:s8] =	ssyncset.s32 @!p0 $0xFFFFF086;
	s6 =	sadd.s32 @!p0 s3, s7;
	s7 =	simm.s32 @!p0 $0x108  }
0x21: {  	s3 =	sadd.s32 s3, s9;
	s6 =	sadd.s32 @!p0 $0x88, s6;
	s7 =	simm.s32 @p2 $0x1082  }
0x22: {  	[simem:s7], [sflag:s8] =	dma.local @!p0 [hbm:s6], $0xF7A  }
0x23: {  	s9 =	sor.u32 $0xD0000000, s2;
	s6 =	simm.s32 $0x108;
	_ =	swait.ge @!p0 [sflag:s8], $0x0  }
0x24: {  	s3 =	sadd.s32 $0x88, s3;
	s6 =	simm.s32 @!p1 $0x1082;
	[sflag:s4] =	ssyncset.s32 $0xFFFFF086  }
0x25: {  	[simem:s6], [sflag:s4] =	dma.local [hbm:s3], $0xF7A  }
0x26: {  	[smem:$0x3F9D] =	sst s1;
	(tag) =	ssettag s2;
	_ =	strace s9  }
0x27: {  	s1 =	sld [smem:$0x3FAD]  }
0x28: {  	s2 =	sld [smem:$0x3FAE]  }
0x29: {  	s4 =	sld [smem:$0x3FB0]  }
0x2a: {  	p0 =	seq.s32 s5, $0x0;
	s5 =	sld [smem:$0x3FB1]  }
0x2b: {  	s6 =	sld [smem:$0x3FB2]  }
0x2c: {  	s7 =	sld [smem:$0x3FB3]  }
0x2d: {  	s3 =	simm.s32 $0x108;
	s8 =	sld [smem:$0x3FB4]  }
0x2e: {  	s3 =	simm.s32 @!p0 $0x1082;
	s9 =	sld [smem:$0x3FB5]  }
0x2f: {  	lr =	sadd.s32 s0, s3;
	s0 =	sld [smem:$0x3FAC]  }
0x30: {  	s3 =	sld [smem:$0x3FAF]  }
0x31: {  	[smem:$0x3FB8] =	sst s10  }
0x32: {  	s10 =	sld [smem:$0x3FB6];
	_ =	sdelay $0x3  }
0x33: {  	p0 =	seq.s32 s10, $0x1;
	s10 =	sld [smem:$0x3FB8];
	_ =	sdelay $0x3  }
0x34: {  	[smem:$0x3FB8] =	sst s10  }
0x35: {  	s10 =	sld [smem:$0x3FB7];
	_ =	sdelay $0x3  }
0x36: {  	p1 =	seq.s32 s10, $0x1;
	s10 =	sld [smem:$0x3FB8];
	_ =	sdelay $0x3  }
0x37: {  	[smem:$0x3FB8] =	sst s10  }
0x38: {  	s10 =	sld [smem:$0x3FB9]  }
0x39: {  	_ = 	snop;
	(pc) =	sbr.ind lr, $3  }
0x3a: {  	_ = 	snop  }
0x3b: {  	_ = 	snop  }
0x3c: {  	p2 =	seq.s32 s10, $0x1;
	s10 =	sld [smem:$0x3FB8]  }
0x3d: {  	_ =	shalt  }
0x3e: {  	_ =	shalt  }
0x3f: {  	_ =	shalt  }
0x40: {  	_ =	shalt  }
0x41: {  	_ =	shalt  }
0x42: {  	_ =	shalt  }
0x43: {  	_ =	shalt  }
0x44: {  	_ =	shalt  }
0x45: {  	_ =	shalt  }
0x46: {  	_ =	shalt  }
0x47: {  	_ =	shalt  }
0x48: {  	_ =	shalt  }
0x49: {  	_ =	shalt  }
0x4a: {  	_ =	shalt  }
0x4b: {  	_ =	shalt  }
0x4c: {  	_ =	shalt  }
0x4d: {  	_ =	shalt  }
0x4e: {  	_ =	shalt  }
0x4f: {  	_ =	shalt  }
0x50: {  	_ =	shalt  }
0x51: {  	_ =	shalt  }
0x52: {  	_ =	shalt  }
0x53: {  	_ =	shalt  }
0x54: {  	_ =	shalt  }
0x55: {  	_ =	shalt  }
0x56: {  	_ =	shalt  }
0x57: {  	_ =	shalt  }
0x58: {  	_ =	shalt  }
0x59: {  	_ =	shalt  }
0x5a: {  	_ =	shalt  }
0x5b: {  	_ =	shalt  }
0x5c: {  	_ =	shalt  }
0x5d: {  	_ =	shalt  }
0x5e: {  	_ =	shalt  }
0x5f: {  	_ =	shalt  }
0x60: {  	_ =	shalt  }
0x61: {  	_ =	shalt  }
0x62: {  	_ =	shalt  }
0x63: {  	_ =	shalt  }
0x64: {  	_ =	shalt  }
0x65: {  	_ =	shalt  }
0x66: {  	_ =	shalt  }
0x67: {  	_ =	shalt  }
0x68: {  	_ =	shalt  }
0x69: {  	_ =	shalt  }
0x6a: {  	_ =	shalt  }
0x6b: {  	_ =	shalt  }
0x6c: {  	_ =	shalt  }
0x6d: {  	_ =	shalt  }
0x6e: {  	_ =	shalt  }
0x6f: {  	_ =	shalt  }
0x70: {  	_ =	shalt  }
0x71: {  	_ =	shalt  }
0x72: {  	_ =	shalt  }
0x73: {  	_ =	shalt  }
0x74: {  	_ =	shalt  }
0x75: {  	_ =	shalt  }
0x76: {  	_ =	shalt  }
0x77: {  	_ =	shalt  }
0x78: {  	_ =	shalt  }
0x79: {  	_ =	shalt  }
0x7a: {  	_ =	shalt  }
0x7b: {  	_ =	shalt  }
0x7c: {  	_ =	shalt  }
0x7d: {  	_ =	shalt  }
0x7e: {  	_ =	shalt  }
0x7f: {  	_ =	shalt  }
0x80: {  	_ =	shalt  }
0x81: {  	_ =	shalt  }
0x82: {  	_ =	shalt  }
0x83: {  	_ =	shalt  }
0x84: {  	_ =	shalt  }
0x85: {  	_ =	shalt  }
0x86: {  	_ =	shalt  }
0x87: {  	_ =	shalt  }
.Lfunc_end0:
.L_simem_size_0:
called_computation_lowered:
.L_overlay_start_0:
0x88: {  	s2 =	sld [smem:$0x3FD9]  }
0x89: {  	s3 =	sld [smem:$0x3FFE];
	_ =	sdelay $0x1  }
0x8a: {  	s1 =	srdreg.scid  }
0x8b: {  	s0 =	sand.u32 $0x1, s1  }
0x8c: {  	s17 =	sshll.u32 s0, $0xA;
	s2 =	sadd.s32 s3, s2  }
0x8d: {  	s2 =	sadd.s32 s2, s17  }
0x8e: {  	[smem:$0x3FC4] =	sst s2  }
0x8f: {  	_ = 	snop  }
0x90: {  	s2 =	sld [smem:$0x3FC8];
	(tm) =	ssettm $0x1  }
0x91: {  	s18 =	sld [smem:$0x3FFB];
	_ =	sdelay $0x3  }
0x92: {  	_ =	strace s18  }
0x93: {  	s3 =	sld [smem:$0x3FFC];
	_ =	sdelay $0x3  }
0x94: {  	_ =	strace s3  }
0x95: {  	s3 =	sld [smem:$0x3FFD];
	_ =	sdelay $0x3  }
0x96: {  	_ =	strace s3  }
0x97: {  	_ =	strace $0x8FFFFFFF  }
0x98: {  	s19 =	sld [smem:$0x3FDB];
	_ =	sdelay $0x1  }
0x99: {  	s4 =	simm.s32 $_scs_section_size  }
0x9a: {  	s5 =	simm.s32 $_size__tile_overlayer_lowered;
	s6 =	simm.s32 $_tile_overlayer_lowered  }
0x9b: {  	s22 =	simm.s32 $0x1BFF;
	s21 =	sshll.u32 s6, $0x1;
	s3 =	sadd.s32 s4, s19  }
0x9c: {  	s7 =	simm.s32 $0x0;
	s20 =	sshll.u32 s5, $0x1;
	s5 =	sadd.s32 s21, s3  }
0x9d: {  	[timem:s7], [sflag:s22] =	dma.local [hbm:s5], s20  }
0x9e: {  	_ =	swait.ge [sflag:s22], s20  }
0x9f: {  	s4 =	ssub.s32 $0x0, s20;
	[sflag:s22] =	ssyncset.done $0x0  }
0xa0: {  	[sflag:s22] =	ssyncadd.s32 s4;
	_ =	sdelay $0x1  }
0xa1: {  	s23 =	simm.s32 $0x1B8B  }
0xa2: {  	_ =	swait.ge [sflag:s23], $0x1  }
0xa3: {  	[sflag:s23] =	ssyncset.done $0x0  }
0xa4: {  	s25 =	simm.s32 $0x1B8E;
	s24 =	sld [smem:$0x3FFE];
	[sflag:s23] =	ssyncadd.s32 $0xFFFFFFFF  }
0xa5: {  	s26 =	simm.s32 $execute0_lowered;
	[smem:$0x3FD2] =	sst s25  }
0xa6: {  	s5 =	sshll.u32 s26, $0x1;
	_ =	strace $0x80000046;
	[dreg:$0x1] =	wrdreg $0xFFFFFFFF  }
0xa7: {  	s28 =	simm.s32 $_size_execute0_lowered;
	s3 =	sadd.s32 s3, s5;
	[dreg:$0x0] =	wrdreg $0x0  }
0xa8: {  	s5 =	sshll.u32 s28, $0x1;
	[dreg:$0x2] =	wrdreg s3  }
0xa9: {  	[dreg:$0x3] =	wrdreg s5  }
0xaa: {  	[dreg:$0x4] =	wrdreg $0xC0  }
0xab: {  	_ =	task [dreg:s7], $0x5FFFF  }
0xac: {  	[dreg:$0x1] =	wrdreg $0xFFFFFFFF  }
0xad: {  	[dreg:$0x0] =	wrdreg $0x60  }
0xae: {  	[dreg:$0x2] =	wrdreg s2  }
0xaf: {  	[dreg:$0x3] =	wrdreg s24  }
0xb0: {  	[dreg:$0x4] =	wrdreg $0x9  }
0xb1: {  	_ =	task.clear_ibuf [dreg:s7], $0x5FFFF;
	_ =	strace $0x90000046  }
0xb2: {  	s29 =	simm.s32 $0x9;
	_ =	strace $0x80000048  }
0xb3: {  	_ =	swait.ge [sflag:s29], $0x1  }
0xb4: {  	[sflag:s29] =	ssyncadd.s32 $0xFFFFFFFF  }
0xb5: {  	_ =	strace $0x90000048  }
0xb6: {  	_ =	sfence  }
0xb7: {  	s30 =	sld [smem:$0x0];
	_ =	sdelay $0x2  }
0xb8: {  	s31 =	sshll.u32 s1, $0xD;
	s1 =	sshrl.u32 s1, $0x2  }
0xb9: {  	s3 =	sand.u32 $0x4000, s31;
	s1 =	sadd.s32 s1, s30  }
0xba: {  	s0 =	sor.u32 s3, s0;
	s1 =	sshll.u32 s1, $0x11  }
0xbb: {  	s0 =	sor.u32 s1, s0  }
0xbc: {  	s0 =	sadd.s32 $0x8F2B, s0  }
0xbd: {  	[sflag:s0] =	ssyncadd.remote.s32 $0x1  }
0xbe: {  	_ =	sfence.sel $0xFFFF  }
0xbf: {  	[dreg:$0x0] =	wrdreg $0xFFFFFFFF;
	(pc) =	sbr.abs _section_cstart, $3  }
0xc0: {  	[dreg:$0x1] =	wrdreg $0xFFFFFFFF  }
0xc1: {  	_ =	task.clear_ibuf [dreg:s7], $0x2FFFF;
	_ =	strace $0x9FFFFFFF  }
0xc2: {  	(tm) =	ssettm $0x7FFFFFFF  }
0xc3: {  	_ =	shalt  }
tec
execute0_lowered:
.L_overlay_start_1:
0x0: {  	(tag) =	ssettag $0x1  }
0x1: {  	s2 =	rddreg [dreg:$0x0]  }
0x2: {  	s0 =	rddreg [dreg:$0x1]  }
0x3: {  	s1 =	srdreg.scid;
	s4 =	stileid.u32;
	s3 =	simm.s32 $0x0  }
0x4: {  	s29 =	simm.s32 $0x12200;
	s15 =	simm.s32 $0x1;
	s16 =	simm.s32 $0x9  }
0x5: {  	s18 =	simm.s32 $0x15200;
	s25 =	simm.s32 $0x17A00;
	s28 =	simm.s32 $0xA  }
0x6: {  	s10 =	simm.s32 $0x4;
	s11 =	simm.s32 $0xC;
	s17 =	simm.s32 $0x5  }
0x7: {  	s23 =	simm.s32 $0xD;
	s30 =	simm.s32 $0x6;
	s14 =	simm.s32 $0xE  }
0x8: {  	s31 =	simm.s32 $0x7;
	s12 =	simm.s32 $0x10;
	s1 =	sand.u32 $0x1, s1  }
0x9: {  	s19 =	simm.s32 $0x0;
	s4 =	sshll.u32 s4, $0xA;
	s5 =	sshll.u32 s1, $0x9  }
0xa: {  	[smem:$0x7FF] =	sst s3;
	s1 =	ssub.s32 $0x2, s1;
	s4 =	sor.u32 s5, s4  }
0xb: {  	_ =	strace $0x80000047;
	s7 =	sshrl.u32 s1, $0x1;
	s5 =	sor.u32 $0x70, s4  }
0xc: {  	s4 =	sshrl.u32 s4, $0x3;
	s1 =	ssub.s32 s1, s7;
	s7 =	simm.s32 $0xB  }
0xd: {  	s5 =	sshrl.u32 s5, $0x3;
	s6 =	sadd.s32 s4, s0;
	s4 =	smul.u32 $0x300, s4  }
.Ltmp0:
0xe: {  	s0 =	sadd.s32 $0x1C00, s0;
	s1 =	smax.u32 s1, $0x1;
	(pc) =	sbr.rel .LBB2_1-.Ltmp0, $4  }
0xf: {  	s8 =	smul.u32 $0x300, s5;
	s26 =	sadd.s32 $0x1400, s6;
	s5 =	sadd.s32 $0x100, s2  }
0x10: {  	v2 =	vlaneseq.u32;
	s6 =	sadd.s32 $0x200, s2;
	[dreg:$0x4] =	wrdreg s1;
	s1 =	simm.s32 $0x8  }
0x11: {  	vm0 =	vmmov $0xffff;
	v1 =	vshrl.u32 v2, $0x3;
	[dreg:$0x3] =	wrdreg s26;
	s9 =	sadd.s32 s4, s0;
	s26 =	simm.s32 $0x2  }
0x12: {  	v0 =	vand.u32 $0x7, v2;
	v2 =	vor.u32 $0x8, v2;
	v1 =	vmul.u32 $0x8, v1;
	s4 =	simm.s32 $0x3;
	s8 =	sadd.s32 s8, s0;
	s0 =	simm.s32 $0xF  }
.LBB2_4:
0x13: {  	s19 =	rddreg [dreg:$0x5]  }
0x14: {  	s13 =	rddreg [dreg:$0x4];
	s19 =	sadd.s32 $0x1, s19  }
0x15: {  	p0 =	sne.s32 s19, s13  }
.Ltmp1:
0x16: {  	_ = 	snop;
	(pc) =	sbr.rel @!p0 .LBB2_5-.Ltmp1, $1  }
0x17: {  	_ =	sdelay $0x3  }
.LBB2_1:
0x18: {  	[dreg:$0x5] =	wrdreg s19  }
0x19: {  	s13 =	rddreg [dreg:$0x3];
	s22 =	simm.s32 $0x11  }
0x1a: {  	[tilespmem:s3], [sflag:$0x11] =	stream.linear.gather [hbm4b:s13+s3], $0x200, $0x38;
	[tilespmem:$0x18200] =	vst v63  }
0x1b: {  	_ =	swait.ge [sflag:s22], $0x200  }
0x1c: {  	[sflag:s22] =	ssyncset.done $0x0  }
0x1d: {  	[sflag:s22] =	ssyncadd.s32 $0xFFFFFE00  }
0x1e: {  	v3 =	vld [tilespmem:$0x0];
	_ =	sdelay $0x4  }
0x1f: {  	v4 =	vshrl.u32 v3, $0x3  }
0x20: {  	v4 =	vmul.u32 $0x30, v4  }
0x21: {  	v3 =	vand.u32 $0x7, v3  }
0x22: {  	v3 =	vor.u32 v3, v4  }
0x23: {  	v4 =	vperm.xlane v3, v0;
	_ =	sdelay $0x1  }
0x24: {  	v4 =	vadd.s32 v1, v4;
	_ =	sdelay $0x3  }
0x25: {  	s24 =	simm.s32 $0x200;
	v3 =	vperm.xlane v3, v2  }
0x26: {  	[tilespmem:s24], [sflag:$0x1] =	stream.indirect_vreg.gather [hbm4b:s2+s3], $0x80, v4, vm0, $0xb8;
	[tilespmem:$0x18200] =	vst v63  }
0x27: {  	s19 =	simm.s32 $0xA00;
	v3 =	vadd.s32 v1, v3  }
0x28: {  	[tilespmem:s19], [sflag:$0x1] =	stream.indirect_vreg.gather [hbm4b:s5+s3], $0x80, v4, vm0, $0xb8;
	[tilespmem:$0x18200] =	vst v63  }
0x29: {  	s20 =	simm.s32 $0x1200  }
0x2a: {  	[tilespmem:s20], [sflag:$0x1] =	stream.indirect_vreg.gather [hbm4b:s6+s3], $0x80, v4, vm0, $0xb8;
	[tilespmem:$0x18200] =	vst v63  }
0x2b: {  	s21 =	simm.s32 $0x1A00  }
0x2c: {  	[tilespmem:s21], [sflag:$0x1] =	stream.indirect_vreg.gather [hbm4b:s2+s3], $0x80, v3, vm0, $0xb8;
	[tilespmem:$0x18200] =	vst v63  }
0x2d: {  	s22 =	simm.s32 $0x2200  }
0x2e: {  	[tilespmem:s22], [sflag:$0x1] =	stream.indirect_vreg.gather [hbm4b:s5+s3], $0x80, v3, vm0, $0xb8;
	[tilespmem:$0x18200] =	vst v63  }
0x2f: {  	s24 =	simm.s32 $0x2A00  }
0x30: {  	[tilespmem:s24], [sflag:$0x1] =	stream.indirect_vreg.gather [hbm4b:s6+s3], $0x80, v3, vm0, $0xb8;
	[tilespmem:$0x18200] =	vst v63  }
0x31: {  	v3 =	vld [tilespmem:$0x10];
	_ =	sdelay $0x4  }
0x32: {  	v58 =	vshrl.u32 v3, $0x3  }
0x33: {  	v4 =	vmul.u32 $0x30, v58  }
0x34: {  	v3 =	vand.u32 $0x7, v3  }
0x35: {  	v3 =	vor.u32 v3, v4  }
0x36: {  	v4 =	vperm.xlane v3, v0;
	_ =	sdelay $0x1  }
0x37: {  	v4 =	vadd.s32 v1, v4;
	_ =	sdelay $0x3  }
0x38: {  	s19 =	simm.s32 $0x3200;
	v3 =	vperm.xlane v3, v2  }
0x39: {  	[tilespmem:s19], [sflag:$0x2] =	stream.indirect_vreg.gather [hbm4b:s2+s3], $0x80, v4, vm0, $0xb8;
	[tilespmem:$0x18200] =	vst v63  }
0x3a: {  	s20 =	simm.s32 $0x3A00;
	v3 =	vadd.s32 v1, v3  }
0x3b: {  	[tilespmem:s20], [sflag:$0x2] =	stream.indirect_vreg.gather [hbm4b:s5+s3], $0x80, v4, vm0, $0xb8;
	[tilespmem:$0x18200] =	vst v63  }
0x3c: {  	s21 =	simm.s32 $0x4200  }
0x3d: {  	[tilespmem:s21], [sflag:$0x2] =	stream.indirect_vreg.gather [hbm4b:s6+s3], $0x80, v4, vm0, $0xb8;
	[tilespmem:$0x18200] =	vst v63  }
0x3e: {  	s22 =	simm.s32 $0x4A00  }
0x3f: {  	[tilespmem:s22], [sflag:$0x2] =	stream.indirect_vreg.gather [hbm4b:s2+s3], $0x80, v3, vm0, $0xb8;
	[tilespmem:$0x18200] =	vst v63  }
0x40: {  	s24 =	simm.s32 $0x5200  }
0x41: {  	[tilespmem:s24], [sflag:$0x2] =	stream.indirect_vreg.gather [hbm4b:s5+s3], $0x80, v3, vm0, $0xb8;
	[tilespmem:$0x18200] =	vst v63  }
0x42: {  	s19 =	simm.s32 $0x5A00  }
0x43: {  	[tilespmem:s19], [sflag:$0x2] =	stream.indirect_vreg.gather [hbm4b:s6+s3], $0x80, v3, vm0, $0xb8;
	[tilespmem:$0x18200] =	vst v63  }
0x44: {  	v3 =	vld [tilespmem:$0x20];
	_ =	sdelay $0x4  }
0x45: {  	v59 =	vshrl.u32 v3, $0x3  }
0x46: {  	v4 =	vmul.u32 $0x30, v59  }
0x47: {  	v3 =	vand.u32 $0x7, v3  }
0x48: {  	v3 =	vor.u32 v3, v4  }
0x49: {  	v4 =	vperm.xlane v3, v0;
	_ =	sdelay $0x1  }
0x4a: {  	v4 =	vadd.s32 v1, v4;
	_ =	sdelay $0x3  }
0x4b: {  	s20 =	simm.s32 $0x6200;
	v3 =	vperm.xlane v3, v2  }
0x4c: {  	[tilespmem:s20], [sflag:$0x3] =	stream.indirect_vreg.gather [hbm4b:s2+s3], $0x80, v4, vm0, $0xb8;
	[tilespmem:$0x18200] =	vst v63  }
0x4d: {  	s21 =	simm.s32 $0x6A00;
	v3 =	vadd.s32 v1, v3  }
0x4e: {  	[tilespmem:s21], [sflag:$0x3] =	stream.indirect_vreg.gather [hbm4b:s5+s3], $0x80, v4, vm0, $0xb8;
	[tilespmem:$0x18200] =	vst v63  }
0x4f: {  	s22 =	simm.s32 $0x7200  }
0x50: {  	[tilespmem:s22], [sflag:$0x3] =	stream.indirect_vreg.gather [hbm4b:s6+s3], $0x80, v4, vm0, $0xb8;
	[tilespmem:$0x18200] =	vst v63  }
0x51: {  	s24 =	simm.s32 $0x7A00  }
0x52: {  	[tilespmem:s24], [sflag:$0x3] =	stream.indirect_vreg.gather [hbm4b:s2+s3], $0x80, v3, vm0, $0xb8;
	[tilespmem:$0x18200] =	vst v63  }
0x53: {  	s19 =	simm.s32 $0x8200  }
0x54: {  	[tilespmem:s19], [sflag:$0x3] =	stream.indirect_vreg.gather [hbm4b:s5+s3], $0x80, v3, vm0, $0xb8;
	[tilespmem:$0x18200] =	vst v63  }
0x55: {  	s20 =	simm.s32 $0x8A00  }
0x56: {  	[tilespmem:s20], [sflag:$0x3] =	stream.indirect_vreg.gather [hbm4b:s6+s3], $0x80, v3, vm0, $0xb8;
	[tilespmem:$0x18200] =	vst v63  }
0x57: {  	v3 =	vld [tilespmem:$0x30];
	_ =	sdelay $0x4  }
0x58: {  	v60 =	vshrl.u32 v3, $0x3  }
0x59: {  	v4 =	vmul.u32 $0x30, v60  }
0x5a: {  	v3 =	vand.u32 $0x7, v3  }
0x5b: {  	v3 =	vor.u32 v3, v4  }
0x5c: {  	v4 =	vperm.xlane v3, v0;
	_ =	sdelay $0x1  }
0x5d: {  	v4 =	vadd.s32 v1, v4;
	_ =	sdelay $0x3  }
0x5e: {  	s21 =	simm.s32 $0x9200;
	v3 =	vperm.xlane v3, v2  }
0x5f: {  	[tilespmem:s21], [sflag:$0x4] =	stream.indirect_vreg.gather [hbm4b:s2+s3], $0x80, v4, vm0, $0xb8;
	[tilespmem:$0x18200] =	vst v63  }
0x60: {  	s22 =	simm.s32 $0x9A00;
	v3 =	vadd.s32 v1, v3  }
0x61: {  	[tilespmem:s22], [sflag:$0x4] =	stream.indirect_vreg.gather [hbm4b:s5+s3], $0x80, v4, vm0, $0xb8;
	[tilespmem:$0x18200] =	vst v63  }
0x62: {  	s24 =	simm.s32 $0xA200  }
0x63: {  	[tilespmem:s24], [sflag:$0x4] =	stream.indirect_vreg.gather [hbm4b:s6+s3], $0x80, v4, vm0, $0xb8;
	[tilespmem:$0x18200] =	vst v63  }
0x64: {  	s19 =	simm.s32 $0xAA00  }
0x65: {  	[tilespmem:s19], [sflag:$0x4] =	stream.indirect_vreg.gather [hbm4b:s2+s3], $0x80, v3, vm0, $0xb8;
	[tilespmem:$0x18200] =	vst v63  }
0x66: {  	s20 =	simm.s32 $0xB200  }
0x67: {  	[tilespmem:s20], [sflag:$0x4] =	stream.indirect_vreg.gather [hbm4b:s5+s3], $0x80, v3, vm0, $0xb8;
	[tilespmem:$0x18200] =	vst v63  }
0x68: {  	s21 =	simm.s32 $0xBA00  }
0x69: {  	[tilespmem:s21], [sflag:$0x4] =	stream.indirect_vreg.gather [hbm4b:s6+s3], $0x80, v3, vm0, $0xb8;
	[tilespmem:$0x18200] =	vst v63  }
0x6a: {  	v3 =	vld [tilespmem:$0x40];
	_ =	sdelay $0x4  }
0x6b: {  	v61 =	vshrl.u32 v3, $0x3  }
0x6c: {  	v4 =	vmul.u32 $0x30, v61  }
0x6d: {  	v3 =	vand.u32 $0x7, v3  }
0x6e: {  	v3 =	vor.u32 v3, v4  }
0x6f: {  	v4 =	vperm.xlane v3, v0;
	_ =	sdelay $0x1  }
0x70: {  	v4 =	vadd.s32 v1, v4;
	_ =	sdelay $0x3  }
0x71: {  	s22 =	simm.s32 $0xC200;
	v3 =	vperm.xlane v3, v2  }
0x72: {  	[tilespmem:s22], [sflag:$0x5] =	stream.indirect_vreg.gather [hbm4b:s2+s3], $0x80, v4, vm0, $0xb8;
	[tilespmem:$0x18200] =	vst v63  }
0x73: {  	s24 =	simm.s32 $0xCA00;
	v3 =	vadd.s32 v1, v3  }
0x74: {  	[tilespmem:s24], [sflag:$0x5] =	stream.indirect_vreg.gather [hbm4b:s5+s3], $0x80, v4, vm0, $0xb8;
	[tilespmem:$0x18200] =	vst v63  }
0x75: {  	s19 =	simm.s32 $0xD200  }
0x76: {  	[tilespmem:s19], [sflag:$0x5] =	stream.indirect_vreg.gather [hbm4b:s6+s3], $0x80, v4, vm0, $0xb8;
	[tilespmem:$0x18200] =	vst v63  }
0x77: {  	s20 =	simm.s32 $0xDA00  }
0x78: {  	[tilespmem:s20], [sflag:$0x5] =	stream.indirect_vreg.gather [hbm4b:s2+s3], $0x80, v3, vm0, $0xb8;
	[tilespmem:$0x18200] =	vst v63  }
0x79: {  	s21 =	simm.s32 $0xE200  }
0x7a: {  	[tilespmem:s21], [sflag:$0x5] =	stream.indirect_vreg.gather [hbm4b:s5+s3], $0x80, v3, vm0, $0xb8;
	[tilespmem:$0x18200] =	vst v63  }
0x7b: {  	s22 =	simm.s32 $0xEA00  }
0x7c: {  	[tilespmem:s22], [sflag:$0x5] =	stream.indirect_vreg.gather [hbm4b:s6+s3], $0x80, v3, vm0, $0xb8;
	[tilespmem:$0x18200] =	vst v63  }
0x7d: {  	v3 =	vld [tilespmem:$0x50];
	_ =	sdelay $0x4  }
0x7e: {  	v62 =	vshrl.u32 v3, $0x3  }
0x7f: {  	v4 =	vmul.u32 $0x30, v62  }
0x80: {  	v3 =	vand.u32 $0x7, v3  }
0x81: {  	v3 =	vor.u32 v3, v4  }
0x82: {  	v4 =	vperm.xlane v3, v0;
	_ =	sdelay $0x1  }
0x83: {  	v4 =	vadd.s32 v1, v4;
	_ =	sdelay $0x3  }
0x84: {  	s24 =	simm.s32 $0xF200;
	v3 =	vperm.xlane v3, v2  }
0x85: {  	[tilespmem:s24], [sflag:$0x6] =	stream.indirect_vreg.gather [hbm4b:s2+s3], $0x80, v4, vm0, $0xb8;
	[tilespmem:$0x18200] =	vst v63  }
0x86: {  	s19 =	simm.s32 $0xFA00;
	v3 =	vadd.s32 v1, v3  }
0x87: {  	[tilespmem:s19], [sflag:$0x6] =	stream.indirect_vreg.gather [hbm4b:s5+s3], $0x80, v4, vm0, $0xb8;
	[tilespmem:$0x18200] =	vst v63  }
0x88: {  	s20 =	simm.s32 $0x10200  }
0x89: {  	[tilespmem:s20], [sflag:$0x6] =	stream.indirect_vreg.gather [hbm4b:s6+s3], $0x80, v4, vm0, $0xb8;
	[tilespmem:$0x18200] =	vst v63  }
0x8a: {  	s21 =	simm.s32 $0x10A00  }
0x8b: {  	[tilespmem:s21], [sflag:$0x6] =	stream.indirect_vreg.gather [hbm4b:s2+s3], $0x80, v3, vm0, $0xb8;
	[tilespmem:$0x18200] =	vst v63  }
0x8c: {  	s22 =	simm.s32 $0x11200  }
0x8d: {  	[tilespmem:s22], [sflag:$0x6] =	stream.indirect_vreg.gather [hbm4b:s5+s3], $0x80, v3, vm0, $0xb8;
	[tilespmem:$0x18200] =	vst v63  }
0x8e: {  	s24 =	simm.s32 $0x11A00  }
0x8f: {  	[tilespmem:s24], [sflag:$0x6] =	stream.indirect_vreg.gather [hbm4b:s6+s3], $0x80, v3, vm0, $0xb8;
	[tilespmem:$0x18200] =	vst v63  }
0x90: {  	v3 =	vld [tilespmem:$0x60];
	_ =	sdelay $0x4  }
0x91: {  	v63 =	vshrl.u32 v3, $0x3  }
0x92: {  	v4 =	vmul.u32 $0x30, v63  }
0x93: {  	v3 =	vand.u32 $0x7, v3  }
0x94: {  	v3 =	vor.u32 v3, v4  }
0x95: {  	v4 =	vperm.xlane v3, v0;
	_ =	sdelay $0x1  }
0x96: {  	v4 =	vadd.s32 v1, v4;
	_ =	sdelay $0x3  }
0x97: {  	v3 =	vperm.xlane v3, v2  }
0x98: {  	[tilespmem:s29], [sflag:$0x7] =	stream.indirect_vreg.gather [hbm4b:s2+s3], $0x80, v4, vm0, $0xb8;
	[tilespmem:$0x18200] =	vst v63  }
0x99: {  	s19 =	simm.s32 $0x12A00;
	v3 =	vadd.s32 v1, v3  }
0x9a: {  	[tilespmem:s19], [sflag:$0x7] =	stream.indirect_vreg.gather [hbm4b:s5+s3], $0x80, v4, vm0, $0xb8;
	[tilespmem:$0x18200] =	vst v63  }
0x9b: {  	s20 =	simm.s32 $0x13200  }
0x9c: {  	[tilespmem:s20], [sflag:$0x7] =	stream.indirect_vreg.gather [hbm4b:s6+s3], $0x80, v4, vm0, $0xb8;
	[tilespmem:$0x18200] =	vst v63  }
0x9d: {  	s21 =	simm.s32 $0x13A00  }
0x9e: {  	[tilespmem:s21], [sflag:$0x7] =	stream.indirect_vreg.gather [hbm4b:s2+s3], $0x80, v3, vm0, $0xb8;
	[tilespmem:$0x18200] =	vst v63  }
0x9f: {  	s22 =	simm.s32 $0x14200  }
0xa0: {  	[tilespmem:s22], [sflag:$0x7] =	stream.indirect_vreg.gather [hbm4b:s5+s3], $0x80, v3, vm0, $0xb8;
	[tilespmem:$0x18200] =	vst v63  }
0xa1: {  	s13 =	simm.s32 $0xE0;
	s24 =	simm.s32 $0x14A00;
	s21 =	simm.s32 $0x0  }
0xa2: {  	[tilespmem:s24], [sflag:$0x7] =	stream.indirect_vreg.gather [hbm4b:s6+s3], $0x80, v3, vm0, $0xb8;
	[tilespmem:$0x18200] =	vst v63  }
.LBB2_2:
0xa3: {  	_ =	swait.ge [sflag:s15], $0x3000  }
0xa4: {  	[sflag:s15] =	ssyncset.done $0x0  }
0xa5: {  	s19 =	sadd.s32 s21, s9;
	s20 =	simm.s32 $0x200;
	[sflag:s15] =	ssyncadd.s32 $0xFFFFD000  }
0xa6: {  	[hbm4b:s19+s3] =	stream.linear.scatter [tilespmem:s20], [sflag:$0x9], $0x3000, $0x38;
	[tilespmem:$0x18200] =	vst v63  }
0xa7: {  	_ =	swait.ge [sflag:s16], $0x3000  }
0xa8: {  	[sflag:s16] =	ssyncset.done $0x0  }
0xa9: {  	[sflag:s16] =	ssyncadd.s32 $0xFFFFD000  }
0xaa: {  	v3 =	vld [tilespmem:s13+$0xFFFFFF90];
	_ =	sdelay $0x4  }
0xab: {  	v4 =	vshrl.u32 v3, $0x3  }
0xac: {  	v4 =	vmul.u32 $0x30, v4  }
0xad: {  	v3 =	vand.u32 $0x7, v3  }
0xae: {  	v3 =	vor.u32 v3, v4  }
0xaf: {  	v4 =	vperm.xlane v3, v0;
	_ =	sdelay $0x1  }
0xb0: {  	v4 =	vadd.s32 v1, v4;
	_ =	sdelay $0x3  }
0xb1: {  	v3 =	vperm.xlane v3, v2  }
0xb2: {  	[tilespmem:s18], [sflag:$0x8] =	stream.indirect_vreg.gather [hbm4b:s2+s3], $0x80, v4, vm0, $0xb8;
	[tilespmem:$0x18200] =	vst v63  }
0xb3: {  	s24 =	simm.s32 $0x15A00;
	v3 =	vadd.s32 v1, v3  }
0xb4: {  	[tilespmem:s24], [sflag:$0x8] =	stream.indirect_vreg.gather [hbm4b:s5+s3], $0x80, v4, vm0, $0xb8;
	[tilespmem:$0x18200] =	vst v63  }
0xb5: {  	s22 =	simm.s32 $0x16200  }
0xb6: {  	[tilespmem:s22], [sflag:$0x8] =	stream.indirect_vreg.gather [hbm4b:s6+s3], $0x80, v4, vm0, $0xb8;
	[tilespmem:$0x18200] =	vst v63  }
0xb7: {  	s24 =	simm.s32 $0x16A00  }
0xb8: {  	[tilespmem:s24], [sflag:$0x8] =	stream.indirect_vreg.gather [hbm4b:s2+s3], $0x80, v3, vm0, $0xb8;
	[tilespmem:$0x18200] =	vst v63  }
0xb9: {  	s22 =	simm.s32 $0x17200  }
0xba: {  	[tilespmem:s22], [sflag:$0x8] =	stream.indirect_vreg.gather [hbm4b:s5+s3], $0x80, v3, vm0, $0xb8;
	[tilespmem:$0x18200] =	vst v63  }
0xbb: {  	_ = 	snop  }
0xbc: {  	[tilespmem:s25], [sflag:$0x8] =	stream.indirect_vreg.gather [hbm4b:s6+s3], $0x80, v3, vm0, $0xb8;
	[tilespmem:$0x18200] =	vst v63  }
0xbd: {  	_ =	swait.ge [sflag:s26], $0x3000  }
0xbe: {  	[sflag:s26] =	ssyncset.done $0x0  }
0xbf: {  	s24 =	sadd.s32 $0x600, s19;
	s22 =	simm.s32 $0x3200;
	[sflag:s26] =	ssyncadd.s32 $0xFFFFD000  }
0xc0: {  	[hbm4b:s24+s3] =	stream.linear.scatter [tilespmem:s22], [sflag:$0xA], $0x3000, $0x38;
	[tilespmem:$0x18200] =	vst v63  }
0xc1: {  	_ =	swait.ge [sflag:s28], $0x3000  }
0xc2: {  	[sflag:s28] =	ssyncset.done $0x0  }
0xc3: {  	p0 =	seq.s32 s21, $0x9000;
	[sflag:s28] =	ssyncadd.s32 $0xFFFFD000  }
0xc4: {  	v3 =	vld @!p0 [tilespmem:s13+$0xFFFFFFA0];
	_ =	sdelay $0x4  }
0xc5: {  	v4 =	vshrl.u32 @!p0 v3, $0x3  }
0xc6: {  	v4 =	vmul.u32 @!p0 $0x30, v4  }
0xc7: {  	v5 =	vlaneseq.u32 @!p0;
	v3 =	vand.u32 @!p0 $0x7, v3  }
0xc8: {  	v6 =	vor.u32 @!p0 v3, v4;
	v4 =	vand.u32 @!p0 $0x7, v5;
	v3 =	vshrl.u32 @!p0 v5, $0x3  }
0xc9: {  	v7 =	vperm.xlane @!p0 v6, v4;
	v3 =	vmul.u32 @!p0 $0x8, v3;
	_ =	sdelay $0x1  }
0xca: {  	v7 =	vadd.s32 @!p0 v3, v7;
	_ =	sdelay $0x2  }
0xcb: {  	v5 =	vor.u32 @!p0 $0x8, v5  }
0xcc: {  	vm1 =	vmmov @!p0 $0xffff;
	s20 =	simm.s32 @!p0 $0x0;
	s22 =	simm.s32 @!p0 $0x200;
	v6 =	vperm.xlane @!p0 v6, v5  }
0xcd: {  	[tilespmem:s22], [sflag:$0x1] =	stream.indirect_vreg.gather @!p0 [hbm4b:s2+s20], $0x80, v7, vm1, $0xb8;
	[tilespmem:$0x18200] =	vst v63  }
0xce: {  	v6 =	vadd.s32 @!p0 v3, v6;
	s22 =	simm.s32 @!p0 $0xA00  }
0xcf: {  	[tilespmem:s22], [sflag:$0x1] =	stream.indirect_vreg.gather @!p0 [hbm4b:s5+s20], $0x80, v7, vm1, $0xb8;
	[tilespmem:$0x18200] =	vst v63  }
0xd0: {  	s22 =	simm.s32 @!p0 $0x1200  }
0xd1: {  	[tilespmem:s22], [sflag:$0x1] =	stream.indirect_vreg.gather @!p0 [hbm4b:s6+s20], $0x80, v7, vm1, $0xb8;
	[tilespmem:$0x18200] =	vst v63  }
0xd2: {  	s22 =	simm.s32 @!p0 $0x1A00  }
0xd3: {  	[tilespmem:s22], [sflag:$0x1] =	stream.indirect_vreg.gather @!p0 [hbm4b:s2+s20], $0x80, v6, vm1, $0xb8;
	[tilespmem:$0x18200] =	vst v63  }
0xd4: {  	s22 =	simm.s32 @!p0 $0x2200  }
0xd5: {  	[tilespmem:s22], [sflag:$0x1] =	stream.indirect_vreg.gather @!p0 [hbm4b:s5+s20], $0x80, v6, vm1, $0xb8;
	[tilespmem:$0x18200] =	vst v63  }
0xd6: {  	s22 =	simm.s32 @!p0 $0x2A00  }
0xd7: {  	[tilespmem:s22], [sflag:$0x1] =	stream.indirect_vreg.gather @!p0 [hbm4b:s6+s20], $0x80, v6, vm1, $0xb8;
	[tilespmem:$0x18200] =	vst v63  }
0xd8: {  	_ =	swait.ge [sflag:s4], $0x3000  }
0xd9: {  	[sflag:s4] =	ssyncset.done $0x0  }
0xda: {  	s24 =	simm.s32 $0x6200;
	s22 =	sadd.s32 $0xC00, s19;
	[sflag:s4] =	ssyncadd.s32 $0xFFFFD000  }
0xdb: {  	[hbm4b:s22+s3] =	stream.linear.scatter [tilespmem:s24], [sflag:$0xB], $0x3000, $0x38;
	[tilespmem:$0x18200] =	vst v63  }
0xdc: {  	_ =	swait.ge [sflag:s7], $0x3000  }
0xdd: {  	[sflag:s7] =	ssyncset.done $0x0  }
0xde: {  	[sflag:s7] =	ssyncadd.s32 $0xFFFFD000  }
0xdf: {  	v6 =	vld @!p0 [tilespmem:s13+$0xFFFFFFB0];
	_ =	sdelay $0x4  }
0xe0: {  	v7 =	vshrl.u32 @!p0 v6, $0x3  }
0xe1: {  	v7 =	vmul.u32 @!p0 $0x30, v7  }
0xe2: {  	v6 =	vand.u32 @!p0 $0x7, v6  }
0xe3: {  	v6 =	vor.u32 @!p0 v6, v7  }
0xe4: {  	v7 =	vperm.xlane @!p0 v6, v4;
	_ =	sdelay $0x1  }
0xe5: {  	v7 =	vadd.s32 @!p0 v3, v7;
	_ =	sdelay $0x3  }
0xe6: {  	s22 =	simm.s32 @!p0 $0x3200;
	v6 =	vperm.xlane @!p0 v6, v5  }
0xe7: {  	[tilespmem:s22], [sflag:$0x2] =	stream.indirect_vreg.gather @!p0 [hbm4b:s2+s20], $0x80, v7, vm1, $0xb8;
	[tilespmem:$0x18200] =	vst v63  }
0xe8: {  	v6 =	vadd.s32 @!p0 v3, v6;
	s22 =	simm.s32 @!p0 $0x3A00  }
0xe9: {  	[tilespmem:s22], [sflag:$0x2] =	stream.indirect_vreg.gather @!p0 [hbm4b:s5+s20], $0x80, v7, vm1, $0xb8;
	[tilespmem:$0x18200] =	vst v63  }
0xea: {  	s22 =	simm.s32 @!p0 $0x4200  }
0xeb: {  	[tilespmem:s22], [sflag:$0x2] =	stream.indirect_vreg.gather @!p0 [hbm4b:s6+s20], $0x80, v7, vm1, $0xb8;
	[tilespmem:$0x18200] =	vst v63  }
0xec: {  	s22 =	simm.s32 @!p0 $0x4A00  }
0xed: {  	[tilespmem:s22], [sflag:$0x2] =	stream.indirect_vreg.gather @!p0 [hbm4b:s2+s20], $0x80, v6, vm1, $0xb8;
	[tilespmem:$0x18200] =	vst v63  }
0xee: {  	s22 =	simm.s32 @!p0 $0x5200  }
0xef: {  	[tilespmem:s22], [sflag:$0x2] =	stream.indirect_vreg.gather @!p0 [hbm4b:s5+s20], $0x80, v6, vm1, $0xb8;
	[tilespmem:$0x18200] =	vst v63  }
0xf0: {  	s22 =	simm.s32 @!p0 $0x5A00  }
0xf1: {  	[tilespmem:s22], [sflag:$0x2] =	stream.indirect_vreg.gather @!p0 [hbm4b:s6+s20], $0x80, v6, vm1, $0xb8;
	[tilespmem:$0x18200] =	vst v63  }
0xf2: {  	_ =	swait.ge [sflag:s10], $0x3000  }
0xf3: {  	[sflag:s10] =	ssyncset.done $0x0  }
0xf4: {  	s24 =	simm.s32 $0x9200;
	s22 =	sadd.s32 $0x1200, s19;
	[sflag:s10] =	ssyncadd.s32 $0xFFFFD000  }
0xf5: {  	[hbm4b:s22+s3] =	stream.linear.scatter [tilespmem:s24], [sflag:$0xC], $0x3000, $0x38;
	[tilespmem:$0x18200] =	vst v63  }
0xf6: {  	_ =	swait.ge [sflag:s11], $0x3000  }
0xf7: {  	[sflag:s11] =	ssyncset.done $0x0  }
0xf8: {  	[sflag:s11] =	ssyncadd.s32 $0xFFFFD000  }
0xf9: {  	v6 =	vld @!p0 [tilespmem:s13+$0xFFFFFFC0];
	_ =	sdelay $0x4  }
0xfa: {  	v7 =	vshrl.u32 @!p0 v6, $0x3  }
0xfb: {  	v7 =	vmul.u32 @!p0 $0x30, v7  }
0xfc: {  	v6 =	vand.u32 @!p0 $0x7, v6  }
0xfd: {  	v6 =	vor.u32 @!p0 v6, v7  }
0xfe: {  	v7 =	vperm.xlane @!p0 v6, v4;
	_ =	sdelay $0x1  }
0xff: {  	v7 =	vadd.s32 @!p0 v3, v7;
	_ =	sdelay $0x3  }
0x100: {  	s22 =	simm.s32 @!p0 $0x6200;
	v6 =	vperm.xlane @!p0 v6, v5  }
0x101: {  	[tilespmem:s22], [sflag:$0x3] =	stream.indirect_vreg.gather @!p0 [hbm4b:s2+s20], $0x80, v7, vm1, $0xb8;
	[tilespmem:$0x18200] =	vst v63  }
0x102: {  	v6 =	vadd.s32 @!p0 v3, v6;
	s22 =	simm.s32 @!p0 $0x6A00  }
0x103: {  	[tilespmem:s22], [sflag:$0x3] =	stream.indirect_vreg.gather @!p0 [hbm4b:s5+s20], $0x80, v7, vm1, $0xb8;
	[tilespmem:$0x18200] =	vst v63  }
0x104: {  	s22 =	simm.s32 @!p0 $0x7200  }
0x105: {  	[tilespmem:s22], [sflag:$0x3] =	stream.indirect_vreg.gather @!p0 [hbm4b:s6+s20], $0x80, v7, vm1, $0xb8;
	[tilespmem:$0x18200] =	vst v63  }
0x106: {  	s22 =	simm.s32 @!p0 $0x7A00  }
0x107: {  	[tilespmem:s22], [sflag:$0x3] =	stream.indirect_vreg.gather @!p0 [hbm4b:s2+s20], $0x80, v6, vm1, $0xb8;
	[tilespmem:$0x18200] =	vst v63  }
0x108: {  	s22 =	simm.s32 @!p0 $0x8200  }
0x109: {  	[tilespmem:s22], [sflag:$0x3] =	stream.indirect_vreg.gather @!p0 [hbm4b:s5+s20], $0x80, v6, vm1, $0xb8;
	[tilespmem:$0x18200] =	vst v63  }
0x10a: {  	s22 =	simm.s32 @!p0 $0x8A00  }
0x10b: {  	[tilespmem:s22], [sflag:$0x3] =	stream.indirect_vreg.gather @!p0 [hbm4b:s6+s20], $0x80, v6, vm1, $0xb8;
	[tilespmem:$0x18200] =	vst v63  }
0x10c: {  	_ =	swait.ge [sflag:s17], $0x3000  }
0x10d: {  	[sflag:s17] =	ssyncset.done $0x0  }
0x10e: {  	s24 =	simm.s32 $0xC200;
	s22 =	sadd.s32 $0x1800, s19;
	[sflag:s17] =	ssyncadd.s32 $0xFFFFD000  }
0x10f: {  	[hbm4b:s22+s3] =	stream.linear.scatter [tilespmem:s24], [sflag:$0xD], $0x3000, $0x38;
	[tilespmem:$0x18200] =	vst v63  }
0x110: {  	_ =	swait.ge [sflag:s23], $0x3000  }
0x111: {  	[sflag:s23] =	ssyncset.done $0x0  }
0x112: {  	[sflag:s23] =	ssyncadd.s32 $0xFFFFD000  }
0x113: {  	v6 =	vld @!p0 [tilespmem:s13+$0xFFFFFFD0];
	_ =	sdelay $0x4  }
0x114: {  	v7 =	vshrl.u32 @!p0 v6, $0x3  }
0x115: {  	v7 =	vmul.u32 @!p0 $0x30, v7  }
0x116: {  	v6 =	vand.u32 @!p0 $0x7, v6  }
0x117: {  	v6 =	vor.u32 @!p0 v6, v7  }
0x118: {  	v7 =	vperm.xlane @!p0 v6, v4;
	_ =	sdelay $0x1  }
0x119: {  	v7 =	vadd.s32 @!p0 v3, v7;
	_ =	sdelay $0x3  }
0x11a: {  	s22 =	simm.s32 @!p0 $0x9200;
	v6 =	vperm.xlane @!p0 v6, v5  }
0x11b: {  	[tilespmem:s22], [sflag:$0x4] =	stream.indirect_vreg.gather @!p0 [hbm4b:s2+s20], $0x80, v7, vm1, $0xb8;
	[tilespmem:$0x18200] =	vst v63  }
0x11c: {  	v6 =	vadd.s32 @!p0 v3, v6;
	s22 =	simm.s32 @!p0 $0x9A00  }
0x11d: {  	[tilespmem:s22], [sflag:$0x4] =	stream.indirect_vreg.gather @!p0 [hbm4b:s5+s20], $0x80, v7, vm1, $0xb8;
	[tilespmem:$0x18200] =	vst v63  }
0x11e: {  	s22 =	simm.s32 @!p0 $0xA200  }
0x11f: {  	[tilespmem:s22], [sflag:$0x4] =	stream.indirect_vreg.gather @!p0 [hbm4b:s6+s20], $0x80, v7, vm1, $0xb8;
	[tilespmem:$0x18200] =	vst v63  }
0x120: {  	s22 =	simm.s32 @!p0 $0xAA00  }
0x121: {  	[tilespmem:s22], [sflag:$0x4] =	stream.indirect_vreg.gather @!p0 [hbm4b:s2+s20], $0x80, v6, vm1, $0xb8;
	[tilespmem:$0x18200] =	vst v63  }
0x122: {  	s22 =	simm.s32 @!p0 $0xB200  }
0x123: {  	[tilespmem:s22], [sflag:$0x4] =	stream.indirect_vreg.gather @!p0 [hbm4b:s5+s20], $0x80, v6, vm1, $0xb8;
	[tilespmem:$0x18200] =	vst v63  }
0x124: {  	s22 =	simm.s32 @!p0 $0xBA00  }
0x125: {  	[tilespmem:s22], [sflag:$0x4] =	stream.indirect_vreg.gather @!p0 [hbm4b:s6+s20], $0x80, v6, vm1, $0xb8;
	[tilespmem:$0x18200] =	vst v63  }
0x126: {  	_ =	swait.ge [sflag:s30], $0x3000  }
0x127: {  	[sflag:s30] =	ssyncset.done $0x0  }
0x128: {  	s24 =	simm.s32 $0xF200;
	s22 =	sadd.s32 $0x1E00, s19;
	[sflag:s30] =	ssyncadd.s32 $0xFFFFD000  }
0x129: {  	[hbm4b:s22+s3] =	stream.linear.scatter [tilespmem:s24], [sflag:$0xE], $0x3000, $0x38;
	[tilespmem:$0x18200] =	vst v63  }
0x12a: {  	_ =	swait.ge [sflag:s14], $0x3000  }
0x12b: {  	[sflag:s14] =	ssyncset.done $0x0  }
0x12c: {  	[sflag:s14] =	ssyncadd.s32 $0xFFFFD000  }
0x12d: {  	v6 =	vld @!p0 [tilespmem:s13+$0xFFFFFFE0];
	_ =	sdelay $0x4  }
0x12e: {  	v7 =	vshrl.u32 @!p0 v6, $0x3  }
0x12f: {  	v7 =	vmul.u32 @!p0 $0x30, v7  }
0x130: {  	v6 =	vand.u32 @!p0 $0x7, v6  }
0x131: {  	v6 =	vor.u32 @!p0 v6, v7  }
0x132: {  	v7 =	vperm.xlane @!p0 v6, v4;
	_ =	sdelay $0x1  }
0x133: {  	v7 =	vadd.s32 @!p0 v3, v7;
	_ =	sdelay $0x3  }
0x134: {  	s22 =	simm.s32 @!p0 $0xC200;
	v6 =	vperm.xlane @!p0 v6, v5  }
0x135: {  	[tilespmem:s22], [sflag:$0x5] =	stream.indirect_vreg.gather @!p0 [hbm4b:s2+s20], $0x80, v7, vm1, $0xb8;
	[tilespmem:$0x18200] =	vst v63  }
0x136: {  	v6 =	vadd.s32 @!p0 v3, v6;
	s22 =	simm.s32 @!p0 $0xCA00  }
0x137: {  	[tilespmem:s22], [sflag:$0x5] =	stream.indirect_vreg.gather @!p0 [hbm4b:s5+s20], $0x80, v7, vm1, $0xb8;
	[tilespmem:$0x18200] =	vst v63  }
0x138: {  	s22 =	simm.s32 @!p0 $0xD200  }
0x139: {  	[tilespmem:s22], [sflag:$0x5] =	stream.indirect_vreg.gather @!p0 [hbm4b:s6+s20], $0x80, v7, vm1, $0xb8;
	[tilespmem:$0x18200] =	vst v63  }
0x13a: {  	s22 =	simm.s32 @!p0 $0xDA00  }
0x13b: {  	[tilespmem:s22], [sflag:$0x5] =	stream.indirect_vreg.gather @!p0 [hbm4b:s2+s20], $0x80, v6, vm1, $0xb8;
	[tilespmem:$0x18200] =	vst v63  }
0x13c: {  	s22 =	simm.s32 @!p0 $0xE200  }
0x13d: {  	[tilespmem:s22], [sflag:$0x5] =	stream.indirect_vreg.gather @!p0 [hbm4b:s5+s20], $0x80, v6, vm1, $0xb8;
	[tilespmem:$0x18200] =	vst v63  }
0x13e: {  	s22 =	simm.s32 @!p0 $0xEA00  }
0x13f: {  	[tilespmem:s22], [sflag:$0x5] =	stream.indirect_vreg.gather @!p0 [hbm4b:s6+s20], $0x80, v6, vm1, $0xb8;
	[tilespmem:$0x18200] =	vst v63  }
0x140: {  	_ =	swait.ge [sflag:s31], $0x3000  }
0x141: {  	[sflag:s31] =	ssyncset.done $0x0  }
0x142: {  	s19 =	sadd.s32 $0x2400, s19;
	[sflag:s31] =	ssyncadd.s32 $0xFFFFD000  }
0x143: {  	[hbm4b:s19+s3] =	stream.linear.scatter [tilespmem:s29], [sflag:$0xF], $0x3000, $0x38;
	[tilespmem:$0x18200] =	vst v63  }
0x144: {  	_ =	swait.ge [sflag:s0], $0x3000  }
0x145: {  	[sflag:s0] =	ssyncset.done $0x0  }
0x146: {  	[sflag:s0] =	ssyncadd.s32 $0xFFFFD000  }
0x147: {  	v6 =	vld @!p0 [tilespmem:s13+$0xFFFFFFF0];
	_ =	sdelay $0x4  }
0x148: {  	v7 =	vshrl.u32 @!p0 v6, $0x3  }
0x149: {  	v7 =	vmul.u32 @!p0 $0x30, v7  }
0x14a: {  	v6 =	vand.u32 @!p0 $0x7, v6  }
0x14b: {  	v6 =	vor.u32 @!p0 v6, v7  }
0x14c: {  	v4 =	vperm.xlane @!p0 v6, v4;
	_ =	sdelay $0x1  }
0x14d: {  	v4 =	vadd.s32 @!p0 v3, v4;
	_ =	sdelay $0x3  }
0x14e: {  	s19 =	simm.s32 @!p0 $0xF200;
	v5 =	vperm.xlane @!p0 v6, v5  }
0x14f: {  	[tilespmem:s19], [sflag:$0x6] =	stream.indirect_vreg.gather @!p0 [hbm4b:s2+s20], $0x80, v4, vm1, $0xb8;
	[tilespmem:$0x18200] =	vst v63  }
0x150: {  	v3 =	vadd.s32 @!p0 v3, v5;
	s19 =	simm.s32 @!p0 $0xFA00  }
0x151: {  	[tilespmem:s19], [sflag:$0x6] =	stream.indirect_vreg.gather @!p0 [hbm4b:s5+s20], $0x80, v4, vm1, $0xb8;
	[tilespmem:$0x18200] =	vst v63  }
0x152: {  	s19 =	simm.s32 @!p0 $0x10200  }
0x153: {  	[tilespmem:s19], [sflag:$0x6] =	stream.indirect_vreg.gather @!p0 [hbm4b:s6+s20], $0x80, v4, vm1, $0xb8;
	[tilespmem:$0x18200] =	vst v63  }
0x154: {  	s19 =	simm.s32 @!p0 $0x10A00  }
0x155: {  	[tilespmem:s19], [sflag:$0x6] =	stream.indirect_vreg.gather @!p0 [hbm4b:s2+s20], $0x80, v3, vm1, $0xb8;
	[tilespmem:$0x18200] =	vst v63  }
0x156: {  	s19 =	simm.s32 @!p0 $0x11200  }
0x157: {  	[tilespmem:s19], [sflag:$0x6] =	stream.indirect_vreg.gather @!p0 [hbm4b:s5+s20], $0x80, v3, vm1, $0xb8;
	[tilespmem:$0x18200] =	vst v63  }
0x158: {  	s19 =	simm.s32 @!p0 $0x11A00  }
0x159: {  	[tilespmem:s19], [sflag:$0x6] =	stream.indirect_vreg.gather @!p0 [hbm4b:s6+s20], $0x80, v3, vm1, $0xb8;
	[tilespmem:$0x18200] =	vst v63  }
0x15a: {  	_ =	swait.ge [sflag:s1], $0x3000  }
0x15b: {  	[sflag:s1] =	ssyncset.done $0x0  }
.Ltmp2:
0x15c: {  	s24 =	sadd.s32 s21, s8;
	[sflag:s1] =	ssyncadd.s32 $0xFFFFD000;
	(pc) =	sbr.rel @p0 .LBB2_4-.Ltmp2, $4  }
0x15d: {  	[hbm4b:s24+s3] =	stream.linear.scatter [tilespmem:s18], [sflag:$0x10], $0x3000, $0x38;
	[tilespmem:$0x18200] =	vst v63  }
0x15e: {  	_ =	swait.ge [sflag:s12], $0x3000  }
0x15f: {  	[sflag:s12] =	ssyncset.done $0x0  }
0x160: {  	[sflag:s12] =	ssyncadd.s32 $0xFFFFD000  }
0x161: {  	v3 =	vld [tilespmem:s13+$0x0];
	_ =	sdelay $0x4  }
0x162: {  	v4 =	vshrl.u32 v3, $0x3  }
0x163: {  	v4 =	vmul.u32 $0x30, v4  }
0x164: {  	v3 =	vand.u32 $0x7, v3  }
0x165: {  	v3 =	vor.u32 v3, v4  }
0x166: {  	v4 =	vperm.xlane v3, v0;
	_ =	sdelay $0x1  }
0x167: {  	v4 =	vadd.s32 v1, v4;
	_ =	sdelay $0x3  }
0x168: {  	v3 =	vperm.xlane v3, v2  }
0x169: {  	[tilespmem:s29], [sflag:$0x7] =	stream.indirect_vreg.gather [hbm4b:s2+s3], $0x80, v4, vm0, $0xb8;
	[tilespmem:$0x18200] =	vst v63  }
0x16a: {  	s19 =	simm.s32 $0x12A00;
	v3 =	vadd.s32 v1, v3  }
0x16b: {  	[tilespmem:s19], [sflag:$0x7] =	stream.indirect_vreg.gather [hbm4b:s5+s3], $0x80, v4, vm0, $0xb8;
	[tilespmem:$0x18200] =	vst v63  }
0x16c: {  	s24 =	simm.s32 $0x13200  }
0x16d: {  	[tilespmem:s24], [sflag:$0x7] =	stream.indirect_vreg.gather [hbm4b:s6+s3], $0x80, v4, vm0, $0xb8;
	[tilespmem:$0x18200] =	vst v63  }
0x16e: {  	s20 =	simm.s32 $0x13A00  }
0x16f: {  	[tilespmem:s20], [sflag:$0x7] =	stream.indirect_vreg.gather [hbm4b:s2+s3], $0x80, v3, vm0, $0xb8;
	[tilespmem:$0x18200] =	vst v63  }
.Ltmp3:
0x170: {  	_ = 	snop;
	(pc) =	sbr.rel .LBB2_2-.Ltmp3, $4  }
0x171: {  	s22 =	simm.s32 $0x14200  }
0x172: {  	[tilespmem:s22], [sflag:$0x7] =	stream.indirect_vreg.gather [hbm4b:s5+s3], $0x80, v3, vm0, $0xb8;
	[tilespmem:$0x18200] =	vst v63  }
0x173: {  	s21 =	sadd.s32 $0x3000, s21;
	s13 =	sadd.s32 $0x80, s13;
	s24 =	simm.s32 $0x14A00  }
0x174: {  	[tilespmem:s24], [sflag:$0x7] =	stream.indirect_vreg.gather [hbm4b:s6+s3], $0x80, v3, vm0, $0xb8;
	[tilespmem:$0x18200] =	vst v63  }
.LBB2_5:
0x175: {  	_ =	sfence.sel $0x180000  }
0x176: {  	[bflag:$0x0] =	sbarrier.arrive $0xFFFF  }
0x177: {  	_ =	strace $0x90000047  }
0x178: {  	s0 =	stileid.u32;
	[bflag:$0x2] =	sbarrier.arrive $0xFFFF  }
0x179: {  	p0 =	sne.s32 s0, $0x0;
	s0 =	rddreg [dreg:$0x2]  }
0x17a: {  	s0 =	sadd.s32 @!p0 $0x100000, s0  }
0x17b: {  	[sflag:s0] =	ssyncadd.tile.s32 @!p0 $0x1;
	_ =	shalt  }
.Lfunc_end2:
_tile_overlayer_lowered:
.L_overlay_start_2:
0x17c: {  	(tag) =	ssettag $0x2  }
0x17d: {  	s0 =	rddreg [dreg:$0x0];
	s2 =	stileid.u32  }
0x17e: {  	s1 =	rddreg [dreg:$0x1];
	p0 =	sne.s32 s2, $0x0  }
0x17f: {  	s3 =	rddreg [dreg:$0x2];
	[bflag:$0x3] =	sbarrier.arrive $0xFFFF;
	s2 =	simm.s32 @!p0 $0x1C11  }
0x180: {  	[timem:s3], [sflag:s2] =	dma.local @!p0 [hbm:s0], s1  }
0x181: {  	s0 =	simm.s32 @!p0 $0x11  }
0x182: {  	_ =	swait.ge @!p0 [sflag:s0], s1  }
0x183: {  	s1 =	ssub.s32 @!p0 $0x0, s1;
	[sflag:s0] =	ssyncset.done @!p0 $0x0  }
0x184: {  	[sflag:s0] =	ssyncadd.s32 @!p0 s1  }
0x185: {  	[bflag:$0x3] =	sbarrier.arrive $0xFFFF  }
0x186: {  	_ =	shalt  }

// kernel: kernel.9.cloned.1.call-start
scs
__scs_entry_jumppad:
0x0: {  	(pc) =	sbr.rel $0x88, $3  }
0x1: {  	(tag) =	ssettag $0x0;
	lr =	simm.s32 $0x1  }
0x2: {  	[smem:$0x3F9D] =	sst lr;
	_ =	strace $0xD0000000  }
0x3: {  	_ = 	snop  }
0x4: {  	_ = 	snop  }
0x5: {  	_ = 	snop  }
0x6: {  	_ = 	snop  }
0x7: {  	_ = 	snop  }
__scs_overlays_trampoline_lowered:
0x8: {  	[smem:$0x3FAC] =	sst s0  }
0x9: {  	[smem:$0x3FAD] =	sst s1  }
0xa: {  	[smem:$0x3FAE] =	sst s2  }
0xb: {  	[smem:$0x3FAF] =	sst s3  }
0xc: {  	[smem:$0x3FB0] =	sst s4  }
0xd: {  	[smem:$0x3FB1] =	sst s5  }
0xe: {  	[smem:$0x3FB2] =	sst s6  }
0xf: {  	[smem:$0x3FB3] =	sst s7  }
0x10: {  	[smem:$0x3FB4] =	sst s8  }
0x11: {  	[smem:$0x3FB5] =	sst s9;
	s0 =	simm.s32 @!p0 $0x0  }
0x12: {  	s1 =	sld [smem:$0x3F9B];
	s0 =	simm.s32 @p0 $0x1  }
0x13: {  	[smem:$0x3FB6] =	sst s0;
	s0 =	simm.s32 @!p1 $0x0  }
0x14: {  	s2 =	sld [smem:$0x3F9A];
	s0 =	simm.s32 @p1 $0x1  }
0x15: {  	[smem:$0x3FB7] =	sst s0;
	s0 =	simm.s32 @!p2 $0x0  }
0x16: {  	s3 =	sld [smem:$0x3FDB];
	s0 =	simm.s32 @p2 $0x1  }
0x17: {  	s4 =	simm.s32 $0x1BF5;
	[smem:$0x3FB9] =	sst s0  }
0x18: {  	s0 =	sld [smem:$0x3F9C];
	_ =	swait.ge [sflag:s4], $0x0  }
0x19: {  	s7 =	sld [smem:$0x3F9D]  }
0x1a: {  	s8 =	sadd.s32 $0xFFFFE003, lr  }
0x1b: {  	s9 =	sadd.s32 $0xFFFFFEF7, lr;
	s5 =	simm.s32 $0xFFFFFFFF;
	p2 =	slt.u32 s8, $0xFFFFF086  }
0x1c: {  	p1 =	slt.u32 s9, $0xF7A;
	s5 =	simm.s32 @!p2 $0x0  }
0x1d: {  	s5 =	simm.s32 @p1 $0x1;
	p0 =	seq.s32 s7, s2  }
0x1e: {  	s7 =	smul.u32 @!p0 $0xF7A, s2;
	p2 =	seq.s32 @!p0 s5, $0x0  }
0x1f: {  	s9 =	smul.u32 $0xF7A, s1;
	s8 =	simm.s32 @!p0 $0x1BF5;
	p2 =	por !p2, p0  }
0x20: {  	[sflag:s8] =	ssyncset.s32 @!p0 $0xFFFFF086;
	s6 =	sadd.s32 @!p0 s3, s7;
	s7 =	simm.s32 @!p0 $0x108  }
0x21: {  	s3 =	sadd.s32 s3, s9;
	s6 =	sadd.s32 @!p0 $0x88, s6;
	s7 =	simm.s32 @p2 $0x1082  }
0x22: {  	[simem:s7], [sflag:s8] =	dma.local @!p0 [hbm:s6], $0xF7A  }
0x23: {  	s9 =	sor.u32 $0xD0000000, s2;
	s6 =	simm.s32 $0x108;
	_ =	swait.ge @!p0 [sflag:s8], $0x0  }
0x24: {  	s3 =	sadd.s32 $0x88, s3;
	s6 =	simm.s32 @!p1 $0x1082;
	[sflag:s4] =	ssyncset.s32 $0xFFFFF086  }
0x25: {  	[simem:s6], [sflag:s4] =	dma.local [hbm:s3], $0xF7A  }
0x26: {  	[smem:$0x3F9D] =	sst s1;
	(tag) =	ssettag s2;
	_ =	strace s9  }
0x27: {  	s1 =	sld [smem:$0x3FAD]  }
0x28: {  	s2 =	sld [smem:$0x3FAE]  }
0x29: {  	s4 =	sld [smem:$0x3FB0]  }
0x2a: {  	p0 =	seq.s32 s5, $0x0;
	s5 =	sld [smem:$0x3FB1]  }
0x2b: {  	s6 =	sld [smem:$0x3FB2]  }
0x2c: {  	s7 =	sld [smem:$0x3FB3]  }
0x2d: {  	s3 =	simm.s32 $0x108;
	s8 =	sld [smem:$0x3FB4]  }
0x2e: {  	s3 =	simm.s32 @!p0 $0x1082;
	s9 =	sld [smem:$0x3FB5]  }
0x2f: {  	lr =	sadd.s32 s0, s3;
	s0 =	sld [smem:$0x3FAC]  }
0x30: {  	s3 =	sld [smem:$0x3FAF]  }
0x31: {  	[smem:$0x3FB8] =	sst s10  }
0x32: {  	s10 =	sld [smem:$0x3FB6];
	_ =	sdelay $0x3  }
0x33: {  	p0 =	seq.s32 s10, $0x1;
	s10 =	sld [smem:$0x3FB8];
	_ =	sdelay $0x3  }
0x34: {  	[smem:$0x3FB8] =	sst s10  }
0x35: {  	s10 =	sld [smem:$0x3FB7];
	_ =	sdelay $0x3  }
0x36: {  	p1 =	seq.s32 s10, $0x1;
	s10 =	sld [smem:$0x3FB8];
	_ =	sdelay $0x3  }
0x37: {  	[smem:$0x3FB8] =	sst s10  }
0x38: {  	s10 =	sld [smem:$0x3FB9]  }
0x39: {  	_ = 	snop;
	(pc) =	sbr.ind lr, $3  }
0x3a: {  	_ = 	snop  }
0x3b: {  	_ = 	snop  }
0x3c: {  	p2 =	seq.s32 s10, $0x1;
	s10 =	sld [smem:$0x3FB8]  }
0x3d: {  	_ =	shalt  }
0x3e: {  	_ =	shalt  }
0x3f: {  	_ =	shalt  }
0x40: {  	_ =	shalt  }
0x41: {  	_ =	shalt  }
0x42: {  	_ =	shalt  }
0x43: {  	_ =	shalt  }
0x44: {  	_ =	shalt  }
0x45: {  	_ =	shalt  }
0x46: {  	_ =	shalt  }
0x47: {  	_ =	shalt  }
0x48: {  	_ =	shalt  }
0x49: {  	_ =	shalt  }
0x4a: {  	_ =	shalt  }
0x4b: {  	_ =	shalt  }
0x4c: {  	_ =	shalt  }
0x4d: {  	_ =	shalt  }
0x4e: {  	_ =	shalt  }
0x4f: {  	_ =	shalt  }
0x50: {  	_ =	shalt  }
0x51: {  	_ =	shalt  }
0x52: {  	_ =	shalt  }
0x53: {  	_ =	shalt  }
0x54: {  	_ =	shalt  }
0x55: {  	_ =	shalt  }
0x56: {  	_ =	shalt  }
0x57: {  	_ =	shalt  }
0x58: {  	_ =	shalt  }
0x59: {  	_ =	shalt  }
0x5a: {  	_ =	shalt  }
0x5b: {  	_ =	shalt  }
0x5c: {  	_ =	shalt  }
0x5d: {  	_ =	shalt  }
0x5e: {  	_ =	shalt  }
0x5f: {  	_ =	shalt  }
0x60: {  	_ =	shalt  }
0x61: {  	_ =	shalt  }
0x62: {  	_ =	shalt  }
0x63: {  	_ =	shalt  }
0x64: {  	_ =	shalt  }
0x65: {  	_ =	shalt  }
0x66: {  	_ =	shalt  }
0x67: {  	_ =	shalt  }
0x68: {  	_ =	shalt  }
0x69: {  	_ =	shalt  }
0x6a: {  	_ =	shalt  }
0x6b: {  	_ =	shalt  }
0x6c: {  	_ =	shalt  }
0x6d: {  	_ =	shalt  }
0x6e: {  	_ =	shalt  }
0x6f: {  	_ =	shalt  }
0x70: {  	_ =	shalt  }
0x71: {  	_ =	shalt  }
0x72: {  	_ =	shalt  }
0x73: {  	_ =	shalt  }
0x74: {  	_ =	shalt  }
0x75: {  	_ =	shalt  }
0x76: {  	_ =	shalt  }
0x77: {  	_ =	shalt  }
0x78: {  	_ =	shalt  }
0x79: {  	_ =	shalt  }
0x7a: {  	_ =	shalt  }
0x7b: {  	_ =	shalt  }
0x7c: {  	_ =	shalt  }
0x7d: {  	_ =	shalt  }
0x7e: {  	_ =	shalt  }
0x7f: {  	_ =	shalt  }
0x80: {  	_ =	shalt  }
0x81: {  	_ =	shalt  }
0x82: {  	_ =	shalt  }
0x83: {  	_ =	shalt  }
0x84: {  	_ =	shalt  }
0x85: {  	_ =	shalt  }
0x86: {  	_ =	shalt  }
0x87: {  	_ =	shalt  }
.Lfunc_end0:
.L_simem_size_0:
called_computation.1_lowered:
.L_overlay_start_0:
0x88: {  	s2 =	sld [smem:$0x3FD9]  }
0x89: {  	s3 =	sld [smem:$0x3FFE];
	_ =	sdelay $0x1  }
0x8a: {  	s1 =	srdreg.scid  }
0x8b: {  	s0 =	sand.u32 $0x1, s1  }
0x8c: {  	s17 =	sshll.u32 s0, $0xA;
	s2 =	sadd.s32 s3, s2  }
0x8d: {  	s2 =	sadd.s32 s2, s17  }
0x8e: {  	[smem:$0x3FC4] =	sst s2  }
0x8f: {  	_ = 	snop  }
0x90: {  	s18 =	sld [smem:$0x3FC8];
	(tm) =	ssettm $0x1  }
0x91: {  	s19 =	sld [smem:$0x3FFB];
	_ =	sdelay $0x3  }
0x92: {  	_ =	strace s19  }
0x93: {  	s2 =	sld [smem:$0x3FFC];
	_ =	sdelay $0x3  }
0x94: {  	_ =	strace s2  }
0x95: {  	s2 =	sld [smem:$0x3FFD];
	_ =	sdelay $0x3  }
0x96: {  	_ =	strace s2  }
0x97: {  	_ =	strace $0x8FFFFFFF  }
0x98: {  	s20 =	sld [smem:$0x3FDB];
	_ =	sdelay $0x1  }
0x99: {  	s4 =	simm.s32 $_scs_section_size  }
0x9a: {  	s5 =	simm.s32 $_size__tile_overlayer_lowered;
	s6 =	simm.s32 $_tile_overlayer_lowered  }
0x9b: {  	s7 =	simm.s32 $0x1BFF;
	s21 =	sshll.u32 s6, $0x1;
	s4 =	sadd.s32 s4, s20  }
0x9c: {  	s22 =	simm.s32 $0x0;
	s5 =	sshll.u32 s5, $0x1;
	s6 =	sadd.s32 s21, s4  }
0x9d: {  	[timem:s22], [sflag:s7] =	dma.local [hbm:s6], s5  }
0x9e: {  	_ =	swait.ge [sflag:s7], s5  }
0x9f: {  	s5 =	ssub.s32 $0x0, s5;
	[sflag:s7] =	ssyncset.done $0x0  }
0xa0: {  	[sflag:s7] =	ssyncadd.s32 s5;
	_ =	sdelay $0x1  }
0xa1: {  	s23 =	simm.s32 $0x1B8B  }
0xa2: {  	_ =	swait.ge [sflag:s23], $0x1  }
0xa3: {  	[sflag:s23] =	ssyncset.done $0x0  }
0xa4: {  	[sflag:s23] =	ssyncadd.s32 $0xFFFFFFFF  }
0xa5: {  	s5 =	sld [smem:$0x0]  }
0xa6: {  	s6 =	sand.u32 $0xFFFFFFFE, s1  }
0xa7: {  	p0 =	sne.s32 s1, s6  }
0xa8: {  	s6 =	sshll.u32 @p0 s6, $0xE  }
0xa9: {  	s6 =	sadd.s32 @p0 $0x11B8D, s6;
	s7 =	sshll.u32 @p0 s5, $0x11  }
0xaa: {  	s6 =	sor.u32 @p0 s7, s6  }
0xab: {  	[sflag:s6] =	ssyncadd.remote.s32 @p0 $0x1;
	_ =	sdelay $0x1  }
0xac: {  	s6 =	simm.s32 @p0 $0x1B8D  }
0xad: {  	_ =	swait.eq @p0 [sflag:s6], $0x1  }
0xae: {  	[sflag:s6] =	ssyncadd.s32 @p0 $0xFFFFFFFF  }
0xaf: {  	s7 =	sshll.u32 @!p0 s1, $0xE  }
0xb0: {  	s7 =	sor.u32 @!p0 $0x4000, s7;
	s6 =	simm.s32 @!p0 $0x1B8D  }
0xb1: {  	s5 =	sshll.u32 @!p0 s5, $0x11;
	s7 =	sadd.s32 @!p0 $0x11B8D, s7;
	_ =	swait.eq @!p0 [sflag:s6], $0x1  }
0xb2: {  	s5 =	sor.u32 @!p0 s5, s7;
	[sflag:s6] =	ssyncadd.s32 @!p0 $0xFFFFFFFF  }
0xb3: {  	s25 =	simm.s32 $0x1B8E;
	s24 =	sld [smem:$0x3FFE];
	[sflag:s5] =	ssyncadd.remote.s32 @!p0 $0x1  }
0xb4: {  	s26 =	simm.s32 $execute0_lowered;
	[smem:$0x3FD2] =	sst s25  }
0xb5: {  	s6 =	sshll.u32 s26, $0x1;
	_ =	strace $0x80000049;
	[dreg:$0x1] =	wrdreg $0xFFFFFFFF  }
0xb6: {  	s28 =	simm.s32 $_size_execute0_lowered;
	s4 =	sadd.s32 s4, s6;
	[dreg:$0x0] =	wrdreg $0x0  }
0xb7: {  	s6 =	sshll.u32 s28, $0x1;
	[dreg:$0x2] =	wrdreg s4  }
0xb8: {  	[dreg:$0x3] =	wrdreg s6  }
0xb9: {  	[dreg:$0x4] =	wrdreg $0xC0  }
0xba: {  	_ =	task [dreg:s22], $0x5FFFF  }
0xbb: {  	[dreg:$0x1] =	wrdreg $0xFFFFFFFF  }
0xbc: {  	[dreg:$0x0] =	wrdreg $0x60  }
0xbd: {  	[dreg:$0x2] =	wrdreg s18  }
0xbe: {  	[dreg:$0x3] =	wrdreg s24  }
0xbf: {  	[dreg:$0x4] =	wrdreg $0xA  }
0xc0: {  	_ =	task.clear_ibuf [dreg:s22], $0x5FFFF;
	_ =	strace $0x90000049  }
0xc1: {  	s29 =	simm.s32 $0xA;
	_ =	strace $0x8000004B  }
0xc2: {  	_ =	swait.ge [sflag:s29], $0x1  }
0xc3: {  	[sflag:s29] =	ssyncadd.s32 $0xFFFFFFFF  }
0xc4: {  	_ =	strace $0x9000004B  }
0xc5: {  	_ =	sfence  }
0xc6: {  	s30 =	sld [smem:$0x0];
	_ =	sdelay $0x2  }
0xc7: {  	s31 =	sshll.u32 s1, $0xD;
	s1 =	sshrl.u32 s1, $0x2  }
0xc8: {  	s4 =	sand.u32 $0x4000, s31;
	s1 =	sadd.s32 s1, s30  }
0xc9: {  	s0 =	sor.u32 s4, s0;
	s1 =	sshll.u32 s1, $0x11  }
0xca: {  	s0 =	sor.u32 s1, s0  }
0xcb: {  	s0 =	sadd.s32 $0x8F2B, s0  }
0xcc: {  	[sflag:s0] =	ssyncadd.remote.s32 $0x1  }
0xcd: {  	_ =	sfence.sel $0xFFFF  }
0xce: {  	[dreg:$0x0] =	wrdreg $0xFFFFFFFF;
	(pc) =	sbr.abs _section_cstart, $3  }
0xcf: {  	[dreg:$0x1] =	wrdreg $0xFFFFFFFF  }
0xd0: {  	_ =	task.clear_ibuf [dreg:s22], $0x2FFFF;
	_ =	strace $0x9FFFFFFF  }
0xd1: {  	(tm) =	ssettm $0x7FFFFFFF  }
tec
execute0_lowered:
.L_overlay_start_1:
0x0: {  	(tag) =	ssettag $0x1  }
0x1: {  	s2 =	rddreg [dreg:$0x0]  }
0x2: {  	s0 =	rddreg [dreg:$0x1]  }
0x3: {  	s1 =	srdreg.scid;
	s4 =	stileid.u32;
	s3 =	simm.s32 $0x0  }
0x4: {  	s29 =	simm.s32 $0x12200;
	s15 =	simm.s32 $0x1;
	s16 =	simm.s32 $0x9  }
0x5: {  	s18 =	simm.s32 $0x15200;
	s25 =	simm.s32 $0x17A00;
	s28 =	simm.s32 $0xA  }
0x6: {  	s10 =	simm.s32 $0x4;
	s11 =	simm.s32 $0xC;
	s17 =	simm.s32 $0x5  }
0x7: {  	s23 =	simm.s32 $0xD;
	s30 =	simm.s32 $0x6;
	s14 =	simm.s32 $0xE  }
0x8: {  	s31 =	simm.s32 $0x7;
	s12 =	simm.s32 $0x10;
	s1 =	sand.u32 $0x1, s1  }
0x9: {  	s19 =	simm.s32 $0x0;
	s4 =	sshll.u32 s4, $0xA;
	s5 =	sshll.u32 s1, $0x9  }
0xa: {  	[smem:$0x7FF] =	sst s3;
	s1 =	ssub.s32 $0x2, s1;
	s4 =	sor.u32 s5, s4  }
0xb: {  	_ =	strace $0x8000004A;
	s7 =	sshrl.u32 s1, $0x1;
	s5 =	sor.u32 $0x70, s4  }
0xc: {  	s4 =	sshrl.u32 s4, $0x3;
	s1 =	ssub.s32 s1, s7;
	s7 =	simm.s32 $0xB  }
0xd: {  	s5 =	sshrl.u32 s5, $0x3;
	s6 =	sadd.s32 s4, s0;
	s4 =	smul.u32 $0x300, s4  }
.Ltmp0:
0xe: {  	s0 =	sadd.s32 $0x182400, s0;
	s1 =	smax.u32 s1, $0x1;
	(pc) =	sbr.rel .LBB2_1-.Ltmp0, $4  }
0xf: {  	s8 =	smul.u32 $0x300, s5;
	s26 =	sadd.s32 $0x181C00, s6;
	s5 =	sadd.s32 $0x100, s2  }
0x10: {  	v2 =	vlaneseq.u32;
	s6 =	sadd.s32 $0x200, s2;
	[dreg:$0x4] =	wrdreg s1;
	s1 =	simm.s32 $0x8  }
0x11: {  	vm0 =	vmmov $0xffff;
	v1 =	vshrl.u32 v2, $0x3;
	[dreg:$0x3] =	wrdreg s26;
	s9 =	sadd.s32 s4, s0;
	s26 =	simm.s32 $0x2  }
0x12: {  	v0 =	vand.u32 $0x7, v2;
	v2 =	vor.u32 $0x8, v2;
	v1 =	vmul.u32 $0x8, v1;
	s4 =	simm.s32 $0x3;
	s8 =	sadd.s32 s8, s0;
	s0 =	simm.s32 $0xF  }
.LBB2_4:
0x13: {  	s19 =	rddreg [dreg:$0x5]  }
0x14: {  	s13 =	rddreg [dreg:$0x4];
	s19 =	sadd.s32 $0x1, s19  }
0x15: {  	p0 =	sne.s32 s19, s13  }
.Ltmp1:
0x16: {  	_ = 	snop;
	(pc) =	sbr.rel @!p0 .LBB2_5-.Ltmp1, $1  }
0x17: {  	_ =	sdelay $0x3  }
.LBB2_1:
0x18: {  	[dreg:$0x5] =	wrdreg s19  }
0x19: {  	s13 =	rddreg [dreg:$0x3];
	s22 =	simm.s32 $0x11  }
0x1a: {  	[tilespmem:s3], [sflag:$0x11] =	stream.linear.gather [hbm4b:s13+s3], $0x200, $0x38;
	[tilespmem:$0x18200] =	vst v63  }
0x1b: {  	_ =	swait.ge [sflag:s22], $0x200  }
0x1c: {  	[sflag:s22] =	ssyncset.done $0x0  }
0x1d: {  	[sflag:s22] =	ssyncadd.s32 $0xFFFFFE00  }
0x1e: {  	v3 =	vld [tilespmem:$0x0];
	_ =	sdelay $0x4  }
0x1f: {  	v4 =	vshrl.u32 v3, $0x3  }
0x20: {  	v4 =	vmul.u32 $0x30, v4  }
0x21: {  	v3 =	vand.u32 $0x7, v3  }
0x22: {  	v3 =	vor.u32 v3, v4  }
0x23: {  	v4 =	vperm.xlane v3, v0;
	_ =	sdelay $0x1  }
0x24: {  	v4 =	vadd.s32 v1, v4;
	_ =	sdelay $0x3  }
0x25: {  	s24 =	simm.s32 $0x200;
	v3 =	vperm.xlane v3, v2  }
0x26: {  	[tilespmem:s24], [sflag:$0x1] =	stream.indirect_vreg.gather [hbm4b:s2+s3], $0x80, v4, vm0, $0xb8;
	[tilespmem:$0x18200] =	vst v63  }
0x27: {  	s19 =	simm.s32 $0xA00;
	v3 =	vadd.s32 v1, v3  }
0x28: {  	[tilespmem:s19], [sflag:$0x1] =	stream.indirect_vreg.gather [hbm4b:s5+s3], $0x80, v4, vm0, $0xb8;
	[tilespmem:$0x18200] =	vst v63  }
0x29: {  	s20 =	simm.s32 $0x1200  }
0x2a: {  	[tilespmem:s20], [sflag:$0x1] =	stream.indirect_vreg.gather [hbm4b:s6+s3], $0x80, v4, vm0, $0xb8;
	[tilespmem:$0x18200] =	vst v63  }
0x2b: {  	s21 =	simm.s32 $0x1A00  }
0x2c: {  	[tilespmem:s21], [sflag:$0x1] =	stream.indirect_vreg.gather [hbm4b:s2+s3], $0x80, v3, vm0, $0xb8;
	[tilespmem:$0x18200] =	vst v63  }
0x2d: {  	s22 =	simm.s32 $0x2200  }
0x2e: {  	[tilespmem:s22], [sflag:$0x1] =	stream.indirect_vreg.gather [hbm4b:s5+s3], $0x80, v3, vm0, $0xb8;
	[tilespmem:$0x18200] =	vst v63  }
0x2f: {  	s24 =	simm.s32 $0x2A00  }
0x30: {  	[tilespmem:s24], [sflag:$0x1] =	stream.indirect_vreg.gather [hbm4b:s6+s3], $0x80, v3, vm0, $0xb8;
	[tilespmem:$0x18200] =	vst v63  }
0x31: {  	v3 =	vld [tilespmem:$0x10];
	_ =	sdelay $0x4  }
0x32: {  	v58 =	vshrl.u32 v3, $0x3  }
0x33: {  	v4 =	vmul.u32 $0x30, v58  }
0x34: {  	v3 =	vand.u32 $0x7, v3  }
0x35: {  	v3 =	vor.u32 v3, v4  }
0x36: {  	v4 =	vperm.xlane v3, v0;
	_ =	sdelay $0x1  }
0x37: {  	v4 =	vadd.s32 v1, v4;
	_ =	sdelay $0x3  }
0x38: {  	s19 =	simm.s32 $0x3200;
	v3 =	vperm.xlane v3, v2  }
0x39: {  	[tilespmem:s19], [sflag:$0x2] =	stream.indirect_vreg.gather [hbm4b:s2+s3], $0x80, v4, vm0, $0xb8;
	[tilespmem:$0x18200] =	vst v63  }
0x3a: {  	s20 =	simm.s32 $0x3A00;
	v3 =	vadd.s32 v1, v3  }
0x3b: {  	[tilespmem:s20], [sflag:$0x2] =	stream.indirect_vreg.gather [hbm4b:s5+s3], $0x80, v4, vm0, $0xb8;
	[tilespmem:$0x18200] =	vst v63  }
0x3c: {  	s21 =	simm.s32 $0x4200  }
0x3d: {  	[tilespmem:s21], [sflag:$0x2] =	stream.indirect_vreg.gather [hbm4b:s6+s3], $0x80, v4, vm0, $0xb8;
	[tilespmem:$0x18200] =	vst v63  }
0x3e: {  	s22 =	simm.s32 $0x4A00  }
0x3f: {  	[tilespmem:s22], [sflag:$0x2] =	stream.indirect_vreg.gather [hbm4b:s2+s3], $0x80, v3, vm0, $0xb8;
	[tilespmem:$0x18200] =	vst v63  }
0x40: {  	s24 =	simm.s32 $0x5200  }
0x41: {  	[tilespmem:s24], [sflag:$0x2] =	stream.indirect_vreg.gather [hbm4b:s5+s3], $0x80, v3, vm0, $0xb8;
	[tilespmem:$0x18200] =	vst v63  }
0x42: {  	s19 =	simm.s32 $0x5A00  }
0x43: {  	[tilespmem:s19], [sflag:$0x2] =	stream.indirect_vreg.gather [hbm4b:s6+s3], $0x80, v3, vm0, $0xb8;
	[tilespmem:$0x18200] =	vst v63  }
0x44: {  	v3 =	vld [tilespmem:$0x20];
	_ =	sdelay $0x4  }
0x45: {  	v59 =	vshrl.u32 v3, $0x3  }
0x46: {  	v4 =	vmul.u32 $0x30, v59  }
0x47: {  	v3 =	vand.u32 $0x7, v3  }
0x48: {  	v3 =	vor.u32 v3, v4  }
0x49: {  	v4 =	vperm.xlane v3, v0;
	_ =	sdelay $0x1  }
0x4a: {  	v4 =	vadd.s32 v1, v4;
	_ =	sdelay $0x3  }
0x4b: {  	s20 =	simm.s32 $0x6200;
	v3 =	vperm.xlane v3, v2  }
0x4c: {  	[tilespmem:s20], [sflag:$0x3] =	stream.indirect_vreg.gather [hbm4b:s2+s3], $0x80, v4, vm0, $0xb8;
	[tilespmem:$0x18200] =	vst v63  }
0x4d: {  	s21 =	simm.s32 $0x6A00;
	v3 =	vadd.s32 v1, v3  }
0x4e: {  	[tilespmem:s21], [sflag:$0x3] =	stream.indirect_vreg.gather [hbm4b:s5+s3], $0x80, v4, vm0, $0xb8;
	[tilespmem:$0x18200] =	vst v63  }
0x4f: {  	s22 =	simm.s32 $0x7200  }
0x50: {  	[tilespmem:s22], [sflag:$0x3] =	stream.indirect_vreg.gather [hbm4b:s6+s3], $0x80, v4, vm0, $0xb8;
	[tilespmem:$0x18200] =	vst v63  }
0x51: {  	s24 =	simm.s32 $0x7A00  }
0x52: {  	[tilespmem:s24], [sflag:$0x3] =	stream.indirect_vreg.gather [hbm4b:s2+s3], $0x80, v3, vm0, $0xb8;
	[tilespmem:$0x18200] =	vst v63  }
0x53: {  	s19 =	simm.s32 $0x8200  }
0x54: {  	[tilespmem:s19], [sflag:$0x3] =	stream.indirect_vreg.gather [hbm4b:s5+s3], $0x80, v3, vm0, $0xb8;
	[tilespmem:$0x18200] =	vst v63  }
0x55: {  	s20 =	simm.s32 $0x8A00  }
0x56: {  	[tilespmem:s20], [sflag:$0x3] =	stream.indirect_vreg.gather [hbm4b:s6+s3], $0x80, v3, vm0, $0xb8;
	[tilespmem:$0x18200] =	vst v63  }
0x57: {  	v3 =	vld [tilespmem:$0x30];
	_ =	sdelay $0x4  }
0x58: {  	v60 =	vshrl.u32 v3, $0x3  }
0x59: {  	v4 =	vmul.u32 $0x30, v60  }
0x5a: {  	v3 =	vand.u32 $0x7, v3  }
0x5b: {  	v3 =	vor.u32 v3, v4  }
0x5c: {  	v4 =	vperm.xlane v3, v0;
	_ =	sdelay $0x1  }
0x5d: {  	v4 =	vadd.s32 v1, v4;
	_ =	sdelay $0x3  }
0x5e: {  	s21 =	simm.s32 $0x9200;
	v3 =	vperm.xlane v3, v2  }
0x5f: {  	[tilespmem:s21], [sflag:$0x4] =	stream.indirect_vreg.gather [hbm4b:s2+s3], $0x80, v4, vm0, $0xb8;
	[tilespmem:$0x18200] =	vst v63  }
0x60: {  	s22 =	simm.s32 $0x9A00;
	v3 =	vadd.s32 v1, v3  }
0x61: {  	[tilespmem:s22], [sflag:$0x4] =	stream.indirect_vreg.gather [hbm4b:s5+s3], $0x80, v4, vm0, $0xb8;
	[tilespmem:$0x18200] =	vst v63  }
0x62: {  	s24 =	simm.s32 $0xA200  }
0x63: {  	[tilespmem:s24], [sflag:$0x4] =	stream.indirect_vreg.gather [hbm4b:s6+s3], $0x80, v4, vm0, $0xb8;
	[tilespmem:$0x18200] =	vst v63  }
0x64: {  	s19 =	simm.s32 $0xAA00  }
0x65: {  	[tilespmem:s19], [sflag:$0x4] =	stream.indirect_vreg.gather [hbm4b:s2+s3], $0x80, v3, vm0, $0xb8;
	[tilespmem:$0x18200] =	vst v63  }
0x66: {  	s20 =	simm.s32 $0xB200  }
0x67: {  	[tilespmem:s20], [sflag:$0x4] =	stream.indirect_vreg.gather [hbm4b:s5+s3], $0x80, v3, vm0, $0xb8;
	[tilespmem:$0x18200] =	vst v63  }
0x68: {  	s21 =	simm.s32 $0xBA00  }
0x69: {  	[tilespmem:s21], [sflag:$0x4] =	stream.indirect_vreg.gather [hbm4b:s6+s3], $0x80, v3, vm0, $0xb8;
	[tilespmem:$0x18200] =	vst v63  }
0x6a: {  	v3 =	vld [tilespmem:$0x40];
	_ =	sdelay $0x4  }
0x6b: {  	v61 =	vshrl.u32 v3, $0x3  }
0x6c: {  	v4 =	vmul.u32 $0x30, v61  }
0x6d: {  	v3 =	vand.u32 $0x7, v3  }
0x6e: {  	v3 =	vor.u32 v3, v4  }
0x6f: {  	v4 =	vperm.xlane v3, v0;
	_ =	sdelay $0x1  }
0x70: {  	v4 =	vadd.s32 v1, v4;
	_ =	sdelay $0x3  }
0x71: {  	s22 =	simm.s32 $0xC200;
	v3 =	vperm.xlane v3, v2  }
0x72: {  	[tilespmem:s22], [sflag:$0x5] =	stream.indirect_vreg.gather [hbm4b:s2+s3], $0x80, v4, vm0, $0xb8;
	[tilespmem:$0x18200] =	vst v63  }
0x73: {  	s24 =	simm.s32 $0xCA00;
	v3 =	vadd.s32 v1, v3  }
0x74: {  	[tilespmem:s24], [sflag:$0x5] =	stream.indirect_vreg.gather [hbm4b:s5+s3], $0x80, v4, vm0, $0xb8;
	[tilespmem:$0x18200] =	vst v63  }
0x75: {  	s19 =	simm.s32 $0xD200  }
0x76: {  	[tilespmem:s19], [sflag:$0x5] =	stream.indirect_vreg.gather [hbm4b:s6+s3], $0x80, v4, vm0, $0xb8;
	[tilespmem:$0x18200] =	vst v63  }
0x77: {  	s20 =	simm.s32 $0xDA00  }
0x78: {  	[tilespmem:s20], [sflag:$0x5] =	stream.indirect_vreg.gather [hbm4b:s2+s3], $0x80, v3, vm0, $0xb8;
	[tilespmem:$0x18200] =	vst v63  }
0x79: {  	s21 =	simm.s32 $0xE200  }
0x7a: {  	[tilespmem:s21], [sflag:$0x5] =	stream.indirect_vreg.gather [hbm4b:s5+s3], $0x80, v3, vm0, $0xb8;
	[tilespmem:$0x18200] =	vst v63  }
0x7b: {  	s22 =	simm.s32 $0xEA00  }
0x7c: {  	[tilespmem:s22], [sflag:$0x5] =	stream.indirect_vreg.gather [hbm4b:s6+s3], $0x80, v3, vm0, $0xb8;
	[tilespmem:$0x18200] =	vst v63  }
0x7d: {  	v3 =	vld [tilespmem:$0x50];
	_ =	sdelay $0x4  }
0x7e: {  	v62 =	vshrl.u32 v3, $0x3  }
0x7f: {  	v4 =	vmul.u32 $0x30, v62  }
0x80: {  	v3 =	vand.u32 $0x7, v3  }
0x81: {  	v3 =	vor.u32 v3, v4  }
0x82: {  	v4 =	vperm.xlane v3, v0;
	_ =	sdelay $0x1  }
0x83: {  	v4 =	vadd.s32 v1, v4;
	_ =	sdelay $0x3  }
0x84: {  	s24 =	simm.s32 $0xF200;
	v3 =	vperm.xlane v3, v2  }
0x85: {  	[tilespmem:s24], [sflag:$0x6] =	stream.indirect_vreg.gather [hbm4b:s2+s3], $0x80, v4, vm0, $0xb8;
	[tilespmem:$0x18200] =	vst v63  }
0x86: {  	s19 =	simm.s32 $0xFA00;
	v3 =	vadd.s32 v1, v3  }
0x87: {  	[tilespmem:s19], [sflag:$0x6] =	stream.indirect_vreg.gather [hbm4b:s5+s3], $0x80, v4, vm0, $0xb8;
	[tilespmem:$0x18200] =	vst v63  }
0x88: {  	s20 =	simm.s32 $0x10200  }
0x89: {  	[tilespmem:s20], [sflag:$0x6] =	stream.indirect_vreg.gather [hbm4b:s6+s3], $0x80, v4, vm0, $0xb8;
	[tilespmem:$0x18200] =	vst v63  }
0x8a: {  	s21 =	simm.s32 $0x10A00  }
0x8b: {  	[tilespmem:s21], [sflag:$0x6] =	stream.indirect_vreg.gather [hbm4b:s2+s3], $0x80, v3, vm0, $0xb8;
	[tilespmem:$0x18200] =	vst v63  }
0x8c: {  	s22 =	simm.s32 $0x11200  }
0x8d: {  	[tilespmem:s22], [sflag:$0x6] =	stream.indirect_vreg.gather [hbm4b:s5+s3], $0x80, v3, vm0, $0xb8;
	[tilespmem:$0x18200] =	vst v63  }
0x8e: {  	s24 =	simm.s32 $0x11A00  }
0x8f: {  	[tilespmem:s24], [sflag:$0x6] =	stream.indirect_vreg.gather [hbm4b:s6+s3], $0x80, v3, vm0, $0xb8;
	[tilespmem:$0x18200] =	vst v63  }
0x90: {  	v3 =	vld [tilespmem:$0x60];
	_ =	sdelay $0x4  }
0x91: {  	v63 =	vshrl.u32 v3, $0x3  }
0x92: {  	v4 =	vmul.u32 $0x30, v63  }
0x93: {  	v3 =	vand.u32 $0x7, v3  }
0x94: {  	v3 =	vor.u32 v3, v4  }
0x95: {  	v4 =	vperm.xlane v3, v0;
	_ =	sdelay $0x1  }
0x96: {  	v4 =	vadd.s32 v1, v4;
	_ =	sdelay $0x3  }
0x97: {  	v3 =	vperm.xlane v3, v2  }
0x98: {  	[tilespmem:s29], [sflag:$0x7] =	stream.indirect_vreg.gather [hbm4b:s2+s3], $0x80, v4, vm0, $0xb8;
	[tilespmem:$0x18200] =	vst v63  }
0x99: {  	s19 =	simm.s32 $0x12A00;
	v3 =	vadd.s32 v1, v3  }
0x9a: {  	[tilespmem:s19], [sflag:$0x7] =	stream.indirect_vreg.gather [hbm4b:s5+s3], $0x80, v4, vm0, $0xb8;
	[tilespmem:$0x18200] =	vst v63  }
0x9b: {  	s20 =	simm.s32 $0x13200  }
0x9c: {  	[tilespmem:s20], [sflag:$0x7] =	stream.indirect_vreg.gather [hbm4b:s6+s3], $0x80, v4, vm0, $0xb8;
	[tilespmem:$0x18200] =	vst v63  }
0x9d: {  	s21 =	simm.s32 $0x13A00  }
0x9e: {  	[tilespmem:s21], [sflag:$0x7] =	stream.indirect_vreg.gather [hbm4b:s2+s3], $0x80, v3, vm0, $0xb8;
	[tilespmem:$0x18200] =	vst v63  }
0x9f: {  	s22 =	simm.s32 $0x14200  }
0xa0: {  	[tilespmem:s22], [sflag:$0x7] =	stream.indirect_vreg.gather [hbm4b:s5+s3], $0x80, v3, vm0, $0xb8;
	[tilespmem:$0x18200] =	vst v63  }
0xa1: {  	s13 =	simm.s32 $0xE0;
	s24 =	simm.s32 $0x14A00;
	s21 =	simm.s32 $0x0  }
0xa2: {  	[tilespmem:s24], [sflag:$0x7] =	stream.indirect_vreg.gather [hbm4b:s6+s3], $0x80, v3, vm0, $0xb8;
	[tilespmem:$0x18200] =	vst v63  }
.LBB2_2:
0xa3: {  	_ =	swait.ge [sflag:s15], $0x3000  }
0xa4: {  	[sflag:s15] =	ssyncset.done $0x0  }
0xa5: {  	s19 =	sadd.s32 s21, s9;
	s20 =	simm.s32 $0x200;
	[sflag:s15] =	ssyncadd.s32 $0xFFFFD000  }
0xa6: {  	[hbm4b:s19+s3] =	stream.linear.scatter [tilespmem:s20], [sflag:$0x9], $0x3000, $0x38;
	[tilespmem:$0x18200] =	vst v63  }
0xa7: {  	_ =	swait.ge [sflag:s16], $0x3000  }
0xa8: {  	[sflag:s16] =	ssyncset.done $0x0  }
0xa9: {  	[sflag:s16] =	ssyncadd.s32 $0xFFFFD000  }
0xaa: {  	v3 =	vld [tilespmem:s13+$0xFFFFFF90];
	_ =	sdelay $0x4  }
0xab: {  	v4 =	vshrl.u32 v3, $0x3  }
0xac: {  	v4 =	vmul.u32 $0x30, v4  }
0xad: {  	v3 =	vand.u32 $0x7, v3  }
0xae: {  	v3 =	vor.u32 v3, v4  }
0xaf: {  	v4 =	vperm.xlane v3, v0;
	_ =	sdelay $0x1  }
0xb0: {  	v4 =	vadd.s32 v1, v4;
	_ =	sdelay $0x3  }
0xb1: {  	v3 =	vperm.xlane v3, v2  }
0xb2: {  	[tilespmem:s18], [sflag:$0x8] =	stream.indirect_vreg.gather [hbm4b:s2+s3], $0x80, v4, vm0, $0xb8;
	[tilespmem:$0x18200] =	vst v63  }
0xb3: {  	s24 =	simm.s32 $0x15A00;
	v3 =	vadd.s32 v1, v3  }
0xb4: {  	[tilespmem:s24], [sflag:$0x8] =	stream.indirect_vreg.gather [hbm4b:s5+s3], $0x80, v4, vm0, $0xb8;
	[tilespmem:$0x18200] =	vst v63  }
0xb5: {  	s22 =	simm.s32 $0x16200  }
0xb6: {  	[tilespmem:s22], [sflag:$0x8] =	stream.indirect_vreg.gather [hbm4b:s6+s3], $0x80, v4, vm0, $0xb8;
	[tilespmem:$0x18200] =	vst v63  }
0xb7: {  	s24 =	simm.s32 $0x16A00  }
0xb8: {  	[tilespmem:s24], [sflag:$0x8] =	stream.indirect_vreg.gather [hbm4b:s2+s3], $0x80, v3, vm0, $0xb8;
	[tilespmem:$0x18200] =	vst v63  }
0xb9: {  	s22 =	simm.s32 $0x17200  }
0xba: {  	[tilespmem:s22], [sflag:$0x8] =	stream.indirect_vreg.gather [hbm4b:s5+s3], $0x80, v3, vm0, $0xb8;
	[tilespmem:$0x18200] =	vst v63  }
0xbb: {  	_ = 	snop  }
0xbc: {  	[tilespmem:s25], [sflag:$0x8] =	stream.indirect_vreg.gather [hbm4b:s6+s3], $0x80, v3, vm0, $0xb8;
	[tilespmem:$0x18200] =	vst v63  }
0xbd: {  	_ =	swait.ge [sflag:s26], $0x3000  }
0xbe: {  	[sflag:s26] =	ssyncset.done $0x0  }
0xbf: {  	s24 =	sadd.s32 $0x600, s19;
	s22 =	simm.s32 $0x3200;
	[sflag:s26] =	ssyncadd.s32 $0xFFFFD000  }
0xc0: {  	[hbm4b:s24+s3] =	stream.linear.scatter [tilespmem:s22], [sflag:$0xA], $0x3000, $0x38;
	[tilespmem:$0x18200] =	vst v63  }
0xc1: {  	_ =	swait.ge [sflag:s28], $0x3000  }
0xc2: {  	[sflag:s28] =	ssyncset.done $0x0  }
0xc3: {  	p0 =	seq.s32 s21, $0x9000;
	[sflag:s28] =	ssyncadd.s32 $0xFFFFD000  }
0xc4: {  	v3 =	vld @!p0 [tilespmem:s13+$0xFFFFFFA0];
	_ =	sdelay $0x4  }
0xc5: {  	v4 =	vshrl.u32 @!p0 v3, $0x3  }
0xc6: {  	v4 =	vmul.u32 @!p0 $0x30, v4  }
0xc7: {  	v5 =	vlaneseq.u32 @!p0;
	v3 =	vand.u32 @!p0 $0x7, v3  }
0xc8: {  	v6 =	vor.u32 @!p0 v3, v4;
	v4 =	vand.u32 @!p0 $0x7, v5;
	v3 =	vshrl.u32 @!p0 v5, $0x3  }
0xc9: {  	v7 =	vperm.xlane @!p0 v6, v4;
	v3 =	vmul.u32 @!p0 $0x8, v3;
	_ =	sdelay $0x1  }
0xca: {  	v7 =	vadd.s32 @!p0 v3, v7;
	_ =	sdelay $0x2  }
0xcb: {  	v5 =	vor.u32 @!p0 $0x8, v5  }
0xcc: {  	vm1 =	vmmov @!p0 $0xffff;
	s20 =	simm.s32 @!p0 $0x0;
	s22 =	simm.s32 @!p0 $0x200;
	v6 =	vperm.xlane @!p0 v6, v5  }
0xcd: {  	[tilespmem:s22], [sflag:$0x1] =	stream.indirect_vreg.gather @!p0 [hbm4b:s2+s20], $0x80, v7, vm1, $0xb8;
	[tilespmem:$0x18200] =	vst v63  }
0xce: {  	v6 =	vadd.s32 @!p0 v3, v6;
	s22 =	simm.s32 @!p0 $0xA00  }
0xcf: {  	[tilespmem:s22], [sflag:$0x1] =	stream.indirect_vreg.gather @!p0 [hbm4b:s5+s20], $0x80, v7, vm1, $0xb8;
	[tilespmem:$0x18200] =	vst v63  }
0xd0: {  	s22 =	simm.s32 @!p0 $0x1200  }
0xd1: {  	[tilespmem:s22], [sflag:$0x1] =	stream.indirect_vreg.gather @!p0 [hbm4b:s6+s20], $0x80, v7, vm1, $0xb8;
	[tilespmem:$0x18200] =	vst v63  }
0xd2: {  	s22 =	simm.s32 @!p0 $0x1A00  }
0xd3: {  	[tilespmem:s22], [sflag:$0x1] =	stream.indirect_vreg.gather @!p0 [hbm4b:s2+s20], $0x80, v6, vm1, $0xb8;
	[tilespmem:$0x18200] =	vst v63  }
0xd4: {  	s22 =	simm.s32 @!p0 $0x2200  }
0xd5: {  	[tilespmem:s22], [sflag:$0x1] =	stream.indirect_vreg.gather @!p0 [hbm4b:s5+s20], $0x80, v6, vm1, $0xb8;
	[tilespmem:$0x18200] =	vst v63  }
0xd6: {  	s22 =	simm.s32 @!p0 $0x2A00  }
0xd7: {  	[tilespmem:s22], [sflag:$0x1] =	stream.indirect_vreg.gather @!p0 [hbm4b:s6+s20], $0x80, v6, vm1, $0xb8;
	[tilespmem:$0x18200] =	vst v63  }
0xd8: {  	_ =	swait.ge [sflag:s4], $0x3000  }
0xd9: {  	[sflag:s4] =	ssyncset.done $0x0  }
0xda: {  	s24 =	simm.s32 $0x6200;
	s22 =	sadd.s32 $0xC00, s19;
	[sflag:s4] =	ssyncadd.s32 $0xFFFFD000  }
0xdb: {  	[hbm4b:s22+s3] =	stream.linear.scatter [tilespmem:s24], [sflag:$0xB], $0x3000, $0x38;
	[tilespmem:$0x18200] =	vst v63  }
0xdc: {  	_ =	swait.ge [sflag:s7], $0x3000  }
0xdd: {  	[sflag:s7] =	ssyncset.done $0x0  }
0xde: {  	[sflag:s7] =	ssyncadd.s32 $0xFFFFD000  }
0xdf: {  	v6 =	vld @!p0 [tilespmem:s13+$0xFFFFFFB0];
	_ =	sdelay $0x4  }
0xe0: {  	v7 =	vshrl.u32 @!p0 v6, $0x3  }
0xe1: {  	v7 =	vmul.u32 @!p0 $0x30, v7  }
0xe2: {  	v6 =	vand.u32 @!p0 $0x7, v6  }
0xe3: {  	v6 =	vor.u32 @!p0 v6, v7  }
0xe4: {  	v7 =	vperm.xlane @!p0 v6, v4;
	_ =	sdelay $0x1  }
0xe5: {  	v7 =	vadd.s32 @!p0 v3, v7;
	_ =	sdelay $0x3  }
0xe6: {  	s22 =	simm.s32 @!p0 $0x3200;
	v6 =	vperm.xlane @!p0 v6, v5  }
0xe7: {  	[tilespmem:s22], [sflag:$0x2] =	stream.indirect_vreg.gather @!p0 [hbm4b:s2+s20], $0x80, v7, vm1, $0xb8;
	[tilespmem:$0x18200] =	vst v63  }
0xe8: {  	v6 =	vadd.s32 @!p0 v3, v6;
	s22 =	simm.s32 @!p0 $0x3A00  }
0xe9: {  	[tilespmem:s22], [sflag:$0x2] =	stream.indirect_vreg.gather @!p0 [hbm4b:s5+s20], $0x80, v7, vm1, $0xb8;
	[tilespmem:$0x18200] =	vst v63  }
0xea: {  	s22 =	simm.s32 @!p0 $0x4200  }
0xeb: {  	[tilespmem:s22], [sflag:$0x2] =	stream.indirect_vreg.gather @!p0 [hbm4b:s6+s20], $0x80, v7, vm1, $0xb8;
	[tilespmem:$0x18200] =	vst v63  }
0xec: {  	s22 =	simm.s32 @!p0 $0x4A00  }
0xed: {  	[tilespmem:s22], [sflag:$0x2] =	stream.indirect_vreg.gather @!p0 [hbm4b:s2+s20], $0x80, v6, vm1, $0xb8;
	[tilespmem:$0x18200] =	vst v63  }
0xee: {  	s22 =	simm.s32 @!p0 $0x5200  }
0xef: {  	[tilespmem:s22], [sflag:$0x2] =	stream.indirect_vreg.gather @!p0 [hbm4b:s5+s20], $0x80, v6, vm1, $0xb8;
	[tilespmem:$0x18200] =	vst v63  }
0xf0: {  	s22 =	simm.s32 @!p0 $0x5A00  }
0xf1: {  	[tilespmem:s22], [sflag:$0x2] =	stream.indirect_vreg.gather @!p0 [hbm4b:s6+s20], $0x80, v6, vm1, $0xb8;
	[tilespmem:$0x18200] =	vst v63  }
0xf2: {  	_ =	swait.ge [sflag:s10], $0x3000  }
0xf3: {  	[sflag:s10] =	ssyncset.done $0x0  }
0xf4: {  	s24 =	simm.s32 $0x9200;
	s22 =	sadd.s32 $0x1200, s19;
	[sflag:s10] =	ssyncadd.s32 $0xFFFFD000  }
0xf5: {  	[hbm4b:s22+s3] =	stream.linear.scatter [tilespmem:s24], [sflag:$0xC], $0x3000, $0x38;
	[tilespmem:$0x18200] =	vst v63  }
0xf6: {  	_ =	swait.ge [sflag:s11], $0x3000  }
0xf7: {  	[sflag:s11] =	ssyncset.done $0x0  }
0xf8: {  	[sflag:s11] =	ssyncadd.s32 $0xFFFFD000  }
0xf9: {  	v6 =	vld @!p0 [tilespmem:s13+$0xFFFFFFC0];
	_ =	sdelay $0x4  }
0xfa: {  	v7 =	vshrl.u32 @!p0 v6, $0x3  }
0xfb: {  	v7 =	vmul.u32 @!p0 $0x30, v7  }
0xfc: {  	v6 =	vand.u32 @!p0 $0x7, v6  }
0xfd: {  	v6 =	vor.u32 @!p0 v6, v7  }
0xfe: {  	v7 =	vperm.xlane @!p0 v6, v4;
	_ =	sdelay $0x1  }
0xff: {  	v7 =	vadd.s32 @!p0 v3, v7;
	_ =	sdelay $0x3  }
0x100: {  	s22 =	simm.s32 @!p0 $0x6200;
	v6 =	vperm.xlane @!p0 v6, v5  }
0x101: {  	[tilespmem:s22], [sflag:$0x3] =	stream.indirect_vreg.gather @!p0 [hbm4b:s2+s20], $0x80, v7, vm1, $0xb8;
	[tilespmem:$0x18200] =	vst v63  }
0x102: {  	v6 =	vadd.s32 @!p0 v3, v6;
	s22 =	simm.s32 @!p0 $0x6A00  }
0x103: {  	[tilespmem:s22], [sflag:$0x3] =	stream.indirect_vreg.gather @!p0 [hbm4b:s5+s20], $0x80, v7, vm1, $0xb8;
	[tilespmem:$0x18200] =	vst v63  }
0x104: {  	s22 =	simm.s32 @!p0 $0x7200  }
0x105: {  	[tilespmem:s22], [sflag:$0x3] =	stream.indirect_vreg.gather @!p0 [hbm4b:s6+s20], $0x80, v7, vm1, $0xb8;
	[tilespmem:$0x18200] =	vst v63  }
0x106: {  	s22 =	simm.s32 @!p0 $0x7A00  }
0x107: {  	[tilespmem:s22], [sflag:$0x3] =	stream.indirect_vreg.gather @!p0 [hbm4b:s2+s20], $0x80, v6, vm1, $0xb8;
	[tilespmem:$0x18200] =	vst v63  }
0x108: {  	s22 =	simm.s32 @!p0 $0x8200  }
0x109: {  	[tilespmem:s22], [sflag:$0x3] =	stream.indirect_vreg.gather @!p0 [hbm4b:s5+s20], $0x80, v6, vm1, $0xb8;
	[tilespmem:$0x18200] =	vst v63  }
0x10a: {  	s22 =	simm.s32 @!p0 $0x8A00  }
0x10b: {  	[tilespmem:s22], [sflag:$0x3] =	stream.indirect_vreg.gather @!p0 [hbm4b:s6+s20], $0x80, v6, vm1, $0xb8;
	[tilespmem:$0x18200] =	vst v63  }
0x10c: {  	_ =	swait.ge [sflag:s17], $0x3000  }
0x10d: {  	[sflag:s17] =	ssyncset.done $0x0  }
0x10e: {  	s24 =	simm.s32 $0xC200;
	s22 =	sadd.s32 $0x1800, s19;
	[sflag:s17] =	ssyncadd.s32 $0xFFFFD000  }
0x10f: {  	[hbm4b:s22+s3] =	stream.linear.scatter [tilespmem:s24], [sflag:$0xD], $0x3000, $0x38;
	[tilespmem:$0x18200] =	vst v63  }
0x110: {  	_ =	swait.ge [sflag:s23], $0x3000  }
0x111: {  	[sflag:s23] =	ssyncset.done $0x0  }
0x112: {  	[sflag:s23] =	ssyncadd.s32 $0xFFFFD000  }
0x113: {  	v6 =	vld @!p0 [tilespmem:s13+$0xFFFFFFD0];
	_ =	sdelay $0x4  }
0x114: {  	v7 =	vshrl.u32 @!p0 v6, $0x3  }
0x115: {  	v7 =	vmul.u32 @!p0 $0x30, v7  }
0x116: {  	v6 =	vand.u32 @!p0 $0x7, v6  }
0x117: {  	v6 =	vor.u32 @!p0 v6, v7  }
0x118: {  	v7 =	vperm.xlane @!p0 v6, v4;
	_ =	sdelay $0x1  }
0x119: {  	v7 =	vadd.s32 @!p0 v3, v7;
	_ =	sdelay $0x3  }
0x11a: {  	s22 =	simm.s32 @!p0 $0x9200;
	v6 =	vperm.xlane @!p0 v6, v5  }
0x11b: {  	[tilespmem:s22], [sflag:$0x4] =	stream.indirect_vreg.gather @!p0 [hbm4b:s2+s20], $0x80, v7, vm1, $0xb8;
	[tilespmem:$0x18200] =	vst v63  }
0x11c: {  	v6 =	vadd.s32 @!p0 v3, v6;
	s22 =	simm.s32 @!p0 $0x9A00  }
0x11d: {  	[tilespmem:s22], [sflag:$0x4] =	stream.indirect_vreg.gather @!p0 [hbm4b:s5+s20], $0x80, v7, vm1, $0xb8;
	[tilespmem:$0x18200] =	vst v63  }
0x11e: {  	s22 =	simm.s32 @!p0 $0xA200  }
0x11f: {  	[tilespmem:s22], [sflag:$0x4] =	stream.indirect_vreg.gather @!p0 [hbm4b:s6+s20], $0x80, v7, vm1, $0xb8;
	[tilespmem:$0x18200] =	vst v63  }
0x120: {  	s22 =	simm.s32 @!p0 $0xAA00  }
0x121: {  	[tilespmem:s22], [sflag:$0x4] =	stream.indirect_vreg.gather @!p0 [hbm4b:s2+s20], $0x80, v6, vm1, $0xb8;
	[tilespmem:$0x18200] =	vst v63  }
0x122: {  	s22 =	simm.s32 @!p0 $0xB200  }
0x123: {  	[tilespmem:s22], [sflag:$0x4] =	stream.indirect_vreg.gather @!p0 [hbm4b:s5+s20], $0x80, v6, vm1, $0xb8;
	[tilespmem:$0x18200] =	vst v63  }
0x124: {  	s22 =	simm.s32 @!p0 $0xBA00  }
0x125: {  	[tilespmem:s22], [sflag:$0x4] =	stream.indirect_vreg.gather @!p0 [hbm4b:s6+s20], $0x80, v6, vm1, $0xb8;
	[tilespmem:$0x18200] =	vst v63  }
0x126: {  	_ =	swait.ge [sflag:s30], $0x3000  }
0x127: {  	[sflag:s30] =	ssyncset.done $0x0  }
0x128: {  	s24 =	simm.s32 $0xF200;
	s22 =	sadd.s32 $0x1E00, s19;
	[sflag:s30] =	ssyncadd.s32 $0xFFFFD000  }
0x129: {  	[hbm4b:s22+s3] =	stream.linear.scatter [tilespmem:s24], [sflag:$0xE], $0x3000, $0x38;
	[tilespmem:$0x18200] =	vst v63  }
0x12a: {  	_ =	swait.ge [sflag:s14], $0x3000  }
0x12b: {  	[sflag:s14] =	ssyncset.done $0x0  }
0x12c: {  	[sflag:s14] =	ssyncadd.s32 $0xFFFFD000  }
0x12d: {  	v6 =	vld @!p0 [tilespmem:s13+$0xFFFFFFE0];
	_ =	sdelay $0x4  }
0x12e: {  	v7 =	vshrl.u32 @!p0 v6, $0x3  }
0x12f: {  	v7 =	vmul.u32 @!p0 $0x30, v7  }
0x130: {  	v6 =	vand.u32 @!p0 $0x7, v6  }
0x131: {  	v6 =	vor.u32 @!p0 v6, v7  }
0x132: {  	v7 =	vperm.xlane @!p0 v6, v4;
	_ =	sdelay $0x1  }
0x133: {  	v7 =	vadd.s32 @!p0 v3, v7;
	_ =	sdelay $0x3  }
0x134: {  	s22 =	simm.s32 @!p0 $0xC200;
	v6 =	vperm.xlane @!p0 v6, v5  }
0x135: {  	[tilespmem:s22], [sflag:$0x5] =	stream.indirect_vreg.gather @!p0 [hbm4b:s2+s20], $0x80, v7, vm1, $0xb8;
	[tilespmem:$0x18200] =	vst v63  }
0x136: {  	v6 =	vadd.s32 @!p0 v3, v6;
	s22 =	simm.s32 @!p0 $0xCA00  }
0x137: {  	[tilespmem:s22], [sflag:$0x5] =	stream.indirect_vreg.gather @!p0 [hbm4b:s5+s20], $0x80, v7, vm1, $0xb8;
	[tilespmem:$0x18200] =	vst v63  }
0x138: {  	s22 =	simm.s32 @!p0 $0xD200  }
0x139: {  	[tilespmem:s22], [sflag:$0x5] =	stream.indirect_vreg.gather @!p0 [hbm4b:s6+s20], $0x80, v7, vm1, $0xb8;
	[tilespmem:$0x18200] =	vst v63  }
0x13a: {  	s22 =	simm.s32 @!p0 $0xDA00  }
0x13b: {  	[tilespmem:s22], [sflag:$0x5] =	stream.indirect_vreg.gather @!p0 [hbm4b:s2+s20], $0x80, v6, vm1, $0xb8;
	[tilespmem:$0x18200] =	vst v63  }
0x13c: {  	s22 =	simm.s32 @!p0 $0xE200  }
0x13d: {  	[tilespmem:s22], [sflag:$0x5] =	stream.indirect_vreg.gather @!p0 [hbm4b:s5+s20], $0x80, v6, vm1, $0xb8;
	[tilespmem:$0x18200] =	vst v63  }
0x13e: {  	s22 =	simm.s32 @!p0 $0xEA00  }
0x13f: {  	[tilespmem:s22], [sflag:$0x5] =	stream.indirect_vreg.gather @!p0 [hbm4b:s6+s20], $0x80, v6, vm1, $0xb8;
	[tilespmem:$0x18200] =	vst v63  }
0x140: {  	_ =	swait.ge [sflag:s31], $0x3000  }
0x141: {  	[sflag:s31] =	ssyncset.done $0x0  }
0x142: {  	s19 =	sadd.s32 $0x2400, s19;
	[sflag:s31] =	ssyncadd.s32 $0xFFFFD000  }
0x143: {  	[hbm4b:s19+s3] =	stream.linear.scatter [tilespmem:s29], [sflag:$0xF], $0x3000, $0x38;
	[tilespmem:$0x18200] =	vst v63  }
0x144: {  	_ =	swait.ge [sflag:s0], $0x3000  }
0x145: {  	[sflag:s0] =	ssyncset.done $0x0  }
0x146: {  	[sflag:s0] =	ssyncadd.s32 $0xFFFFD000  }
0x147: {  	v6 =	vld @!p0 [tilespmem:s13+$0xFFFFFFF0];
	_ =	sdelay $0x4  }
0x148: {  	v7 =	vshrl.u32 @!p0 v6, $0x3  }
0x149: {  	v7 =	vmul.u32 @!p0 $0x30, v7  }
0x14a: {  	v6 =	vand.u32 @!p0 $0x7, v6  }
0x14b: {  	v6 =	vor.u32 @!p0 v6, v7  }
0x14c: {  	v4 =	vperm.xlane @!p0 v6, v4;
	_ =	sdelay $0x1  }
0x14d: {  	v4 =	vadd.s32 @!p0 v3, v4;
	_ =	sdelay $0x3  }
0x14e: {  	s19 =	simm.s32 @!p0 $0xF200;
	v5 =	vperm.xlane @!p0 v6, v5  }
0x14f: {  	[tilespmem:s19], [sflag:$0x6] =	stream.indirect_vreg.gather @!p0 [hbm4b:s2+s20], $0x80, v4, vm1, $0xb8;
	[tilespmem:$0x18200] =	vst v63  }
0x150: {  	v3 =	vadd.s32 @!p0 v3, v5;
	s19 =	simm.s32 @!p0 $0xFA00  }
0x151: {  	[tilespmem:s19], [sflag:$0x6] =	stream.indirect_vreg.gather @!p0 [hbm4b:s5+s20], $0x80, v4, vm1, $0xb8;
	[tilespmem:$0x18200] =	vst v63  }
0x152: {  	s19 =	simm.s32 @!p0 $0x10200  }
0x153: {  	[tilespmem:s19], [sflag:$0x6] =	stream.indirect_vreg.gather @!p0 [hbm4b:s6+s20], $0x80, v4, vm1, $0xb8;
	[tilespmem:$0x18200] =	vst v63  }
0x154: {  	s19 =	simm.s32 @!p0 $0x10A00  }
0x155: {  	[tilespmem:s19], [sflag:$0x6] =	stream.indirect_vreg.gather @!p0 [hbm4b:s2+s20], $0x80, v3, vm1, $0xb8;
	[tilespmem:$0x18200] =	vst v63  }
0x156: {  	s19 =	simm.s32 @!p0 $0x11200  }
0x157: {  	[tilespmem:s19], [sflag:$0x6] =	stream.indirect_vreg.gather @!p0 [hbm4b:s5+s20], $0x80, v3, vm1, $0xb8;
	[tilespmem:$0x18200] =	vst v63  }
0x158: {  	s19 =	simm.s32 @!p0 $0x11A00  }
0x159: {  	[tilespmem:s19], [sflag:$0x6] =	stream.indirect_vreg.gather @!p0 [hbm4b:s6+s20], $0x80, v3, vm1, $0xb8;
	[tilespmem:$0x18200] =	vst v63  }
0x15a: {  	_ =	swait.ge [sflag:s1], $0x3000  }
0x15b: {  	[sflag:s1] =	ssyncset.done $0x0  }
.Ltmp2:
0x15c: {  	s24 =	sadd.s32 s21, s8;
	[sflag:s1] =	ssyncadd.s32 $0xFFFFD000;
	(pc) =	sbr.rel @p0 .LBB2_4-.Ltmp2, $4  }
0x15d: {  	[hbm4b:s24+s3] =	stream.linear.scatter [tilespmem:s18], [sflag:$0x10], $0x3000, $0x38;
	[tilespmem:$0x18200] =	vst v63  }
0x15e: {  	_ =	swait.ge [sflag:s12], $0x3000  }
0x15f: {  	[sflag:s12] =	ssyncset.done $0x0  }
0x160: {  	[sflag:s12] =	ssyncadd.s32 $0xFFFFD000  }
0x161: {  	v3 =	vld [tilespmem:s13+$0x0];
	_ =	sdelay $0x4  }
0x162: {  	v4 =	vshrl.u32 v3, $0x3  }
0x163: {  	v4 =	vmul.u32 $0x30, v4  }
0x164: {  	v3 =	vand.u32 $0x7, v3  }
0x165: {  	v3 =	vor.u32 v3, v4  }
0x166: {  	v4 =	vperm.xlane v3, v0;
	_ =	sdelay $0x1  }
0x167: {  	v4 =	vadd.s32 v1, v4;
	_ =	sdelay $0x3  }
0x168: {  	v3 =	vperm.xlane v3, v2  }
0x169: {  	[tilespmem:s29], [sflag:$0x7] =	stream.indirect_vreg.gather [hbm4b:s2+s3], $0x80, v4, vm0, $0xb8;
	[tilespmem:$0x18200] =	vst v63  }
0x16a: {  	s19 =	simm.s32 $0x12A00;
	v3 =	vadd.s32 v1, v3  }
0x16b: {  	[tilespmem:s19], [sflag:$0x7] =	stream.indirect_vreg.gather [hbm4b:s5+s3], $0x80, v4, vm0, $0xb8;
	[tilespmem:$0x18200] =	vst v63  }
0x16c: {  	s24 =	simm.s32 $0x13200  }
0x16d: {  	[tilespmem:s24], [sflag:$0x7] =	stream.indirect_vreg.gather [hbm4b:s6+s3], $0x80, v4, vm0, $0xb8;
	[tilespmem:$0x18200] =	vst v63  }
0x16e: {  	s20 =	simm.s32 $0x13A00  }
0x16f: {  	[tilespmem:s20], [sflag:$0x7] =	stream.indirect_vreg.gather [hbm4b:s2+s3], $0x80, v3, vm0, $0xb8;
	[tilespmem:$0x18200] =	vst v63  }
.Ltmp3:
0x170: {  	_ = 	snop;
	(pc) =	sbr.rel .LBB2_2-.Ltmp3, $4  }
0x171: {  	s22 =	simm.s32 $0x14200  }
0x172: {  	[tilespmem:s22], [sflag:$0x7] =	stream.indirect_vreg.gather [hbm4b:s5+s3], $0x80, v3, vm0, $0xb8;
	[tilespmem:$0x18200] =	vst v63  }
0x173: {  	s21 =	sadd.s32 $0x3000, s21;
	s13 =	sadd.s32 $0x80, s13;
	s24 =	simm.s32 $0x14A00  }
0x174: {  	[tilespmem:s24], [sflag:$0x7] =	stream.indirect_vreg.gather [hbm4b:s6+s3], $0x80, v3, vm0, $0xb8;
	[tilespmem:$0x18200] =	vst v63  }
.LBB2_5:
0x175: {  	_ =	sfence.sel $0x180000  }
0x176: {  	[bflag:$0x0] =	sbarrier.arrive $0xFFFF  }
0x177: {  	_ =	strace $0x9000004A  }
0x178: {  	s0 =	stileid.u32;
	[bflag:$0x2] =	sbarrier.arrive $0xFFFF  }
0x179: {  	p0 =	sne.s32 s0, $0x0;
	s0 =	rddreg [dreg:$0x2]  }
0x17a: {  	s0 =	sadd.s32 @!p0 $0x100000, s0  }
0x17b: {  	[sflag:s0] =	ssyncadd.tile.s32 @!p0 $0x1;
	_ =	shalt  }
.Lfunc_end2:
_tile_overlayer_lowered:
.L_overlay_start_2:
0x17c: {  	(tag) =	ssettag $0x2  }
0x17d: {  	s0 =	rddreg [dreg:$0x0];
	s2 =	stileid.u32  }
0x17e: {  	s1 =	rddreg [dreg:$0x1];
	p0 =	sne.s32 s2, $0x0  }
0x17f: {  	s3 =	rddreg [dreg:$0x2];
	[bflag:$0x3] =	sbarrier.arrive $0xFFFF;
	s2 =	simm.s32 @!p0 $0x1C11  }
0x180: {  	[timem:s3], [sflag:s2] =	dma.local @!p0 [hbm:s0], s1  }
0x181: {  	s0 =	simm.s32 @!p0 $0x11  }
0x182: {  	_ =	swait.ge @!p0 [sflag:s0], s1  }
0x183: {  	s1 =	ssub.s32 @!p0 $0x0, s1;
	[sflag:s0] =	ssyncset.done @!p0 $0x0  }
0x184: {  	[sflag:s0] =	ssyncadd.s32 @!p0 s1  }
0x185: {  	[bflag:$0x3] =	sbarrier.arrive $0xFFFF  }
0x186: {  	_ =	shalt  }

</sc_bundles>
